<compile_context>
chip_gen: v7x
topology: tpu7x:2x2x1
jax: 0.10.2.dev20260603
libtpu: 0.0.44.dev20260713+nightly
codegen_flags: <defaults>
</compile_context>

<pallas_src>
import functools

import jax
import jax.numpy as jnp
import numpy as np
from jax import lax
from jax.experimental import pallas as pl
from jax.experimental.pallas import tpu as pltpu
from jax.experimental.pallas import tpu_sc as plsc

VOCAB = 100000
D_MODEL = 1024
MAX_LEN = 2048
EPS = 1e-5

NC, NS = 2, 16
NW = NC * NS

N_CHUNKS = 2
GATHER_CHUNK = 32
LN_ROWS = 1024


def _pe_table(max_len, d_model):
    pos = np.arange(max_len, dtype=np.float32)[:, None]
    i = np.arange(0, d_model, 2, dtype=np.float32)
    div = np.exp(-np.log(10000.0) * i / d_model)
    pe = np.zeros((max_len, d_model), dtype=np.float32)
    pe[:, 0::2] = np.sin(pos * div)
    pe[:, 1::2] = np.cos(pos * div)
    return pe


_PE = _pe_table(MAX_LEN, D_MODEL)


def _sc_gather(table, idx):
    n = idx.shape[0]
    d = table.shape[1]
    b_per_w = n // NW
    chunk = min(GATHER_CHUNK, b_per_w)
    n_chunks = b_per_w // chunk
    mesh = plsc.VectorSubcoreMesh(core_axis_name="c", subcore_axis_name="s")

    @functools.partial(
        pl.kernel,
        out_type=jax.ShapeDtypeStruct((n, d), table.dtype),
        mesh=mesh,
        scratch_types=[
            pltpu.VMEM((b_per_w,), jnp.int32),
            pltpu.VMEM((chunk, d), table.dtype),
            pltpu.VMEM((chunk, d), table.dtype),
            pltpu.SemaphoreType.DMA,
            pltpu.SemaphoreType.DMA,
            pltpu.SemaphoreType.DMA,
            pltpu.SemaphoreType.DMA,
        ],
    )
    def gather_kernel(table_hbm, idx_hbm, out_hbm, idx_v, rows0, rows1,
                      gsem0, gsem1, wsem0, wsem1):
        wid = lax.axis_index("s") * NC + lax.axis_index("c")
        base = wid * b_per_w
        pltpu.sync_copy(idx_hbm.at[pl.ds(base, b_per_w)], idx_v)

        rows = (rows0, rows1)
        gsems = (gsem0, gsem1)
        wsems = (wsem0, wsem1)

        def start_gather(c, buf):
            return pltpu.async_copy(
                table_hbm.at[idx_v.at[pl.ds(c * chunk, chunk)]],
                rows[buf], gsems[buf])

        def start_write(c, buf):
            return pltpu.async_copy(
                rows[buf], out_hbm.at[pl.ds(base + c * chunk, chunk)],
                wsems[buf])

        start_gather(0, 0)
        writes = [None, None]
        for c in range(n_chunks):
            buf = c % 2
            pltpu.make_async_copy(
                table_hbm.at[idx_v.at[pl.ds(c * chunk, chunk)]],
                rows[buf], gsems[buf]).wait()
            if c + 1 < n_chunks:
                nbuf = (c + 1) % 2
                if writes[nbuf] is not None:
                    writes[nbuf].wait()
                    writes[nbuf] = None
                start_gather(c + 1, nbuf)
            writes[buf] = start_write(c, buf)
        for w in writes:
            if w is not None:
                w.wait()

    return gather_kernel(table, idx)


def _tc_ln_chunk(tok, pe, gamma, beta, out_prev, n_total, chunk_id):
    r, d = tok.shape
    l = pe.shape[0]
    blocks = r // LN_ROWS
    n_pe_blocks = l // LN_ROWS
    base = chunk_id * blocks

    def body(tok_ref, pe_ref, g_ref, b_ref, *rest):
        o_ref = rest[-1]
        i = pl.program_id(0)
        pe_blk = pe_ref[pl.ds((i % n_pe_blocks) * LN_ROWS, LN_ROWS), :]
        x = tok_ref[...] + pe_blk.astype(jnp.float32)
        m = jnp.mean(x, axis=-1, keepdims=True)
        xc = x - m
        v = jnp.mean(xc * xc, axis=-1, keepdims=True)
        o_ref[...] = xc * lax.rsqrt(v + EPS) * g_ref[...] + b_ref[...]

    in_specs = [
        pl.BlockSpec((LN_ROWS, d), lambda i: (i, 0)),
        pl.BlockSpec((l, d), lambda i: (0, 0)),
        pl.BlockSpec((1, d), lambda i: (0, 0)),
        pl.BlockSpec((1, d), lambda i: (0, 0)),
    ]
    args = [tok, pe, gamma.reshape(1, d), beta.reshape(1, d)]
    aliases = {}
    if out_prev is not None:
        in_specs.append(pl.BlockSpec(memory_space=pl.ANY))
        args.append(out_prev)
        aliases = {4: 0}

    return pl.pallas_call(
        body,
        grid=(blocks,),
        in_specs=in_specs,
        out_specs=pl.BlockSpec((LN_ROWS, d), lambda i: (base + i, 0)),
        out_shape=jax.ShapeDtypeStruct((n_total, d), jnp.float32),
        input_output_aliases=aliases,
    )(*args)


def kernel(sequence, table, gamma, beta):
    b, l = sequence.shape
    d = table.shape[1]
    n = b * l
    idx = sequence.reshape(-1).astype(jnp.int32)
    pe = jnp.asarray(_PE[:l], dtype=jnp.bfloat16)

    rows_per_chunk = n // N_CHUNKS
    toks = [
        _sc_gather(table, lax.dynamic_slice_in_dim(idx, c * rows_per_chunk,
                                                   rows_per_chunk))
        for c in range(N_CHUNKS)
    ]
    out = None
    for c in range(N_CHUNKS):
        out = _tc_ln_chunk(toks[c], pe, gamma, beta, out, n, c)
    return out.reshape(b, l, d)

# --- scband reference (transcript-rebuilt; emitter-appended) ---
"""Pipeline reference for scband-transformer-embedding-3478923510485 (READ-ONLY COPY).

The authoritative reference and input builder live on the scoring server;
editing this copy changes nothing except your own understanding.
"""

import jax, jax.numpy as jnp
import numpy as np

VOCAB = 100000
D_MODEL = 1024
MAX_LEN = 2048
B, L = 4, 2048


def _pos_encoding(max_len, d_model):
    pos = np.arange(max_len, dtype=np.float32)[:, None]
    i = np.arange(0, d_model, 2, dtype=np.float32)
    div = np.exp(-np.log(10000.0) * i / d_model)
    pe = np.zeros((max_len, d_model), dtype=np.float32)
    pe[:, 0::2] = np.sin(pos * div)
    pe[:, 1::2] = np.cos(pos * div)
    return jnp.asarray(pe)


def setup_inputs(seed: int = 0) -> dict:
    key = jax.random.key(seed)
    k1, k2 = jax.random.split(key)
    sequence = jax.random.randint(k1, (B, L), 0, VOCAB)
    table = jax.random.normal(k2, (VOCAB, D_MODEL), dtype=jnp.float32)
    table = table.at[0].set(0.0)  # padding_idx=0 row is zero
    gamma = jnp.ones((D_MODEL,), dtype=jnp.float32)
    beta = jnp.zeros((D_MODEL,), dtype=jnp.float32)
    return {"sequence": sequence, "table": table, "gamma": gamma, "beta": beta}


def reference(sequence, table, gamma, beta):
    # TokenEmbedding: gather from table (pad_idx row is zero)
    tok = jnp.take(table, sequence, axis=0)  # [B, L, D]
    # PositionalEmbedding: fixed sin/cos, sliced to seq_len
    pe = _pos_encoding(MAX_LEN, D_MODEL)[: sequence.shape[1]]
    x = tok + pe[None, :, :]
    # dropout -> identity in eval mode
    # LayerNorm over last dim (eps=1e-5, affine)
    mean = jnp.mean(x, axis=-1, keepdims=True)
    var = jnp.var(x, axis=-1, keepdims=True)
    x = (x - mean) / jnp.sqrt(var + 1e-5) * gamma + beta
    # second dropout -> identity in eval mode
    return x

if __name__ == "__main__":
    import jax
    _d = setup_inputs()
    print(jax.jit(kernel)(*tuple(_d.values())))

</pallas_src>

<mosaic_0001>
#map = affine_map<(d0, d1) -> (0, 0)>
#map1 = affine_map<(d0, d1) -> (0)>
module attributes {stable_mosaic.version = 14 : i64} {
  func.func @gather_kernel(%arg0: i32, %arg1: i32, %arg2: memref<100000x1024xf32, #tpu.memory_space<hbm>>, %arg3: memref<4096xi32, #tpu.memory_space<hbm>>, %arg4: memref<4096x1024xf32, #tpu.memory_space<hbm>>, %arg5: memref<128xi32, #tpu.memory_space<vmem>>, %arg6: memref<32x1024xf32, #tpu.memory_space<vmem>>, %arg7: memref<32x1024xf32, #tpu.memory_space<vmem>>, %arg8: memref<!tpu.dma_semaphore, #tpu.memory_space<semaphore_mem>>, %arg9: memref<!tpu.dma_semaphore, #tpu.memory_space<semaphore_mem>>, %arg10: memref<!tpu.dma_semaphore, #tpu.memory_space<semaphore_mem>>, %arg11: memref<!tpu.dma_semaphore, #tpu.memory_space<semaphore_mem>>) attributes {dimension_semantics = [#tpu.dimension_semantics<core_parallel>, #tpu.dimension_semantics<subcore_parallel>], iteration_bounds = array<i64: 2, 16>, scalar_prefetch = 0 : i64, scratch_operands = 7 : i64, tpu.core_type = #tpu.core_type<sc_vector_subcore>, window_params = [{transform_indices = #map}, {transform_indices = #map1}, {transform_indices = #map}]} {
    %mul3A = arith.constant 2 : i32
    %mul3A_0 = arith.muli %arg1, %mul3A : i32
    %add3A = arith.addi %mul3A_0, %arg0 : i32
    %mul3A_1 = arith.constant 128 : i32
    %mul3A_2 = arith.muli %add3A, %mul3A_1 : i32
    "tpu.region"() ({
      %run_scoped3A = tpu.sem_alloc : memref<!tpu.dma_semaphore, #tpu.memory_space<semaphore_mem>>
      %dma_start3A_81 = tpu.memref_slice %arg3[%mul3A_2] : memref<4096xi32, #tpu.memory_space<hbm>> -> memref<128xi32, #tpu.memory_space<hbm>>
      %dma_start3A_82 = tpu.memref_slice %arg3[%mul3A_2] : memref<4096xi32, #tpu.memory_space<hbm>> -> memref<128xi32, #tpu.memory_space<hbm>>
      tpu.enqueue_dma source(%dma_start3A_82 : memref<128xi32, #tpu.memory_space<hbm>>) target(%arg5 : memref<128xi32, #tpu.memory_space<vmem>>) target_semaphore(%run_scoped3A : memref<!tpu.dma_semaphore, #tpu.memory_space<semaphore_mem>>)
      %dma_wait3A_83 = tpu.memref_slice %arg3[%mul3A_2] : memref<4096xi32, #tpu.memory_space<hbm>> -> memref<128xi32, #tpu.memory_space<hbm>>
      %dma_wait3A_84 = tpu.memref_slice %arg3[%mul3A_2] : memref<4096xi32, #tpu.memory_space<hbm>> -> memref<128xi32, #tpu.memory_space<hbm>>
      tpu.wait_dma2 semaphore(%run_scoped3A : memref<!tpu.dma_semaphore, #tpu.memory_space<semaphore_mem>>) src(%dma_wait3A_84 : memref<128xi32, #tpu.memory_space<hbm>>) dst(%arg5 : memref<128xi32, #tpu.memory_space<vmem>>)
      tpu.yield
    }) : () -> ()
    %dma_start3A = arith.constant 0 : i32
    %dma_start3A_3 = tpu.memref_slice %arg5[%dma_start3A] : memref<128xi32, #tpu.memory_space<vmem>> -> memref<32xi32, #tpu.memory_space<vmem>>
    %dma_start3A_4 = arith.constant 0 : i32
    %dma_start3A_5 = arith.constant 0 : i32
    %dma_start3A_6 = tpu.memref_slice %arg2[%dma_start3A_4, %dma_start3A_5] : memref<100000x1024xf32, #tpu.memory_space<hbm>> -> memref<100000x1024xf32, #tpu.memory_space<hbm>>
    tpu.enqueue_indirect_dma source(%dma_start3A_6 : memref<100000x1024xf32, #tpu.memory_space<hbm>>) target(%arg6 : memref<32x1024xf32, #tpu.memory_space<vmem>>) offsets(%dma_start3A_3 : memref<32xi32, #tpu.memory_space<vmem>>) semaphore(%arg8 : memref<!tpu.dma_semaphore, #tpu.memory_space<semaphore_mem>>)
    %dma_wait3A = arith.constant 0 : i32
    %dma_wait3A_7 = tpu.memref_slice %arg5[%dma_wait3A] : memref<128xi32, #tpu.memory_space<vmem>> -> memref<32xi32, #tpu.memory_space<vmem>>
    %dma_wait3A_8 = arith.constant 0 : i32
    %dma_wait3A_9 = arith.constant 0 : i32
    %dma_wait3A_10 = tpu.memref_slice %arg2[%dma_wait3A_8, %dma_wait3A_9] : memref<100000x1024xf32, #tpu.memory_space<hbm>> -> memref<100000x1024xf32, #tpu.memory_space<hbm>>
    tpu.wait_indirect_dma semaphore(%arg8 : memref<!tpu.dma_semaphore, #tpu.memory_space<semaphore_mem>>) src(%dma_wait3A_10 : memref<100000x1024xf32, #tpu.memory_space<hbm>>) dst(%arg6 : memref<32x1024xf32, #tpu.memory_space<vmem>>)
    %dma_start3A_11 = arith.constant 32 : i32
    %dma_start3A_12 = tpu.memref_slice %arg5[%dma_start3A_11] : memref<128xi32, #tpu.memory_space<vmem>> -> memref<32xi32, #tpu.memory_space<vmem>>
    %dma_start3A_13 = arith.constant 0 : i32
    %dma_start3A_14 = arith.constant 0 : i32
    %dma_start3A_15 = tpu.memref_slice %arg2[%dma_start3A_13, %dma_start3A_14] : memref<100000x1024xf32, #tpu.memory_space<hbm>> -> memref<100000x1024xf32, #tpu.memory_space<hbm>>
    tpu.enqueue_indirect_dma source(%dma_start3A_15 : memref<100000x1024xf32, #tpu.memory_space<hbm>>) target(%arg7 : memref<32x1024xf32, #tpu.memory_space<vmem>>) offsets(%dma_start3A_12 : memref<32xi32, #tpu.memory_space<vmem>>) semaphore(%arg9 : memref<!tpu.dma_semaphore, #tpu.memory_space<semaphore_mem>>)
    %add3A_16 = arith.constant 0 : i32
    %add3A_17 = arith.addi %mul3A_2, %add3A_16 : i32
    %dma_start3A_18 = arith.constant 0 : i32
    %dma_start3A_19 = tpu.memref_slice %arg4[%add3A_17, %dma_start3A_18] : memref<4096x1024xf32, #tpu.memory_space<hbm>> -> memref<32x1024xf32, #tpu.memory_space<hbm>>
    %dma_start3A_20 = arith.constant 0 : i32
    %dma_start3A_21 = tpu.memref_slice %arg4[%add3A_17, %dma_start3A_20] : memref<4096x1024xf32, #tpu.memory_space<hbm>> -> memref<32x1024xf32, #tpu.memory_space<hbm>>
    tpu.enqueue_dma source(%arg6 : memref<32x1024xf32, #tpu.memory_space<vmem>>) target(%dma_start3A_21 : memref<32x1024xf32, #tpu.memory_space<hbm>>) target_semaphore(%arg10 : memref<!tpu.dma_semaphore, #tpu.memory_space<semaphore_mem>>)
    %dma_wait3A_22 = arith.constant 32 : i32
    %dma_wait3A_23 = tpu.memref_slice %arg5[%dma_wait3A_22] : memref<128xi32, #tpu.memory_space<vmem>> -> memref<32xi32, #tpu.memory_space<vmem>>
    %dma_wait3A_24 = arith.constant 0 : i32
    %dma_wait3A_25 = arith.constant 0 : i32
    %dma_wait3A_26 = tpu.memref_slice %arg2[%dma_wait3A_24, %dma_wait3A_25] : memref<100000x1024xf32, #tpu.memory_space<hbm>> -> memref<100000x1024xf32, #tpu.memory_space<hbm>>
    tpu.wait_indirect_dma semaphore(%arg9 : memref<!tpu.dma_semaphore, #tpu.memory_space<semaphore_mem>>) src(%dma_wait3A_26 : memref<100000x1024xf32, #tpu.memory_space<hbm>>) dst(%arg7 : memref<32x1024xf32, #tpu.memory_space<vmem>>)
    %dma_wait3A_27 = arith.constant 0 : i32
    %dma_wait3A_28 = tpu.memref_slice %arg4[%add3A_17, %dma_wait3A_27] : memref<4096x1024xf32, #tpu.memory_space<hbm>> -> memref<32x1024xf32, #tpu.memory_space<hbm>>
    %dma_wait3A_29 = arith.constant 0 : i32
    %dma_wait3A_30 = tpu.memref_slice %arg4[%add3A_17, %dma_wait3A_29] : memref<4096x1024xf32, #tpu.memory_space<hbm>> -> memref<32x1024xf32, #tpu.memory_space<hbm>>
    tpu.wait_dma2 semaphore(%arg10 : memref<!tpu.dma_semaphore, #tpu.memory_space<semaphore_mem>>) src(%arg6 : memref<32x1024xf32, #tpu.memory_space<vmem>>) dst(%dma_wait3A_30 : memref<32x1024xf32, #tpu.memory_space<hbm>>)
    %dma_start3A_31 = arith.constant 64 : i32
    %dma_start3A_32 = tpu.memref_slice %arg5[%dma_start3A_31] : memref<128xi32, #tpu.memory_space<vmem>> -> memref<32xi32, #tpu.memory_space<vmem>>
    %dma_start3A_33 = arith.constant 0 : i32
    %dma_start3A_34 = arith.constant 0 : i32
    %dma_start3A_35 = tpu.memref_slice %arg2[%dma_start3A_33, %dma_start3A_34] : memref<100000x1024xf32, #tpu.memory_space<hbm>> -> memref<100000x1024xf32, #tpu.memory_space<hbm>>
    tpu.enqueue_indirect_dma source(%dma_start3A_35 : memref<100000x1024xf32, #tpu.memory_space<hbm>>) target(%arg6 : memref<32x1024xf32, #tpu.memory_space<vmem>>) offsets(%dma_start3A_32 : memref<32xi32, #tpu.memory_space<vmem>>) semaphore(%arg8 : memref<!tpu.dma_semaphore, #tpu.memory_space<semaphore_mem>>)
    %add3A_36 = arith.constant 32 : i32
    %add3A_37 = arith.addi %mul3A_2, %add3A_36 : i32
    %dma_start3A_38 = arith.constant 0 : i32
    %dma_start3A_39 = tpu.memref_slice %arg4[%add3A_37, %dma_start3A_38] : memref<4096x1024xf32, #tpu.memory_space<hbm>> -> memref<32x1024xf32, #tpu.memory_space<hbm>>
    %dma_start3A_40 = arith.constant 0 : i32
    %dma_start3A_41 = tpu.memref_slice %arg4[%add3A_37, %dma_start3A_40] : memref<4096x1024xf32, #tpu.memory_space<hbm>> -> memref<32x1024xf32, #tpu.memory_space<hbm>>
    tpu.enqueue_dma source(%arg7 : memref<32x1024xf32, #tpu.memory_space<vmem>>) target(%dma_start3A_41 : memref<32x1024xf32, #tpu.memory_space<hbm>>) target_semaphore(%arg11 : memref<!tpu.dma_semaphore, #tpu.memory_space<semaphore_mem>>)
    %dma_wait3A_42 = arith.constant 64 : i32
    %dma_wait3A_43 = tpu.memref_slice %arg5[%dma_wait3A_42] : memref<128xi32, #tpu.memory_space<vmem>> -> memref<32xi32, #tpu.memory_space<vmem>>
    %dma_wait3A_44 = arith.constant 0 : i32
    %dma_wait3A_45 = arith.constant 0 : i32
    %dma_wait3A_46 = tpu.memref_slice %arg2[%dma_wait3A_44, %dma_wait3A_45] : memref<100000x1024xf32, #tpu.memory_space<hbm>> -> memref<100000x1024xf32, #tpu.memory_space<hbm>>
    tpu.wait_indirect_dma semaphore(%arg8 : memref<!tpu.dma_semaphore, #tpu.memory_space<semaphore_mem>>) src(%dma_wait3A_46 : memref<100000x1024xf32, #tpu.memory_space<hbm>>) dst(%arg6 : memref<32x1024xf32, #tpu.memory_space<vmem>>)
    %dma_wait3A_47 = arith.constant 0 : i32
    %dma_wait3A_48 = tpu.memref_slice %arg4[%add3A_37, %dma_wait3A_47] : memref<4096x1024xf32, #tpu.memory_space<hbm>> -> memref<32x1024xf32, #tpu.memory_space<hbm>>
    %dma_wait3A_49 = arith.constant 0 : i32
    %dma_wait3A_50 = tpu.memref_slice %arg4[%add3A_37, %dma_wait3A_49] : memref<4096x1024xf32, #tpu.memory_space<hbm>> -> memref<32x1024xf32, #tpu.memory_space<hbm>>
    tpu.wait_dma2 semaphore(%arg11 : memref<!tpu.dma_semaphore, #tpu.memory_space<semaphore_mem>>) src(%arg7 : memref<32x1024xf32, #tpu.memory_space<vmem>>) dst(%dma_wait3A_50 : memref<32x1024xf32, #tpu.memory_space<hbm>>)
    %dma_start3A_51 = arith.constant 96 : i32
    %dma_start3A_52 = tpu.memref_slice %arg5[%dma_start3A_51] : memref<128xi32, #tpu.memory_space<vmem>> -> memref<32xi32, #tpu.memory_space<vmem>>
    %dma_start3A_53 = arith.constant 0 : i32
    %dma_start3A_54 = arith.constant 0 : i32
    %dma_start3A_55 = tpu.memref_slice %arg2[%dma_start3A_53, %dma_start3A_54] : memref<100000x1024xf32, #tpu.memory_space<hbm>> -> memref<100000x1024xf32, #tpu.memory_space<hbm>>
    tpu.enqueue_indirect_dma source(%dma_start3A_55 : memref<100000x1024xf32, #tpu.memory_space<hbm>>) target(%arg7 : memref<32x1024xf32, #tpu.memory_space<vmem>>) offsets(%dma_start3A_52 : memref<32xi32, #tpu.memory_space<vmem>>) semaphore(%arg9 : memref<!tpu.dma_semaphore, #tpu.memory_space<semaphore_mem>>)
    %add3A_56 = arith.constant 64 : i32
    %add3A_57 = arith.addi %mul3A_2, %add3A_56 : i32
    %dma_start3A_58 = arith.constant 0 : i32
    %dma_start3A_59 = tpu.memref_slice %arg4[%add3A_57, %dma_start3A_58] : memref<4096x1024xf32, #tpu.memory_space<hbm>> -> memref<32x1024xf32, #tpu.memory_space<hbm>>
    %dma_start3A_60 = arith.constant 0 : i32
    %dma_start3A_61 = tpu.memref_slice %arg4[%add3A_57, %dma_start3A_60] : memref<4096x1024xf32, #tpu.memory_space<hbm>> -> memref<32x1024xf32, #tpu.memory_space<hbm>>
    tpu.enqueue_dma source(%arg6 : memref<32x1024xf32, #tpu.memory_space<vmem>>) target(%dma_start3A_61 : memref<32x1024xf32, #tpu.memory_space<hbm>>) target_semaphore(%arg10 : memref<!tpu.dma_semaphore, #tpu.memory_space<semaphore_mem>>)
    %dma_wait3A_62 = arith.constant 96 : i32
    %dma_wait3A_63 = tpu.memref_slice %arg5[%dma_wait3A_62] : memref<128xi32, #tpu.memory_space<vmem>> -> memref<32xi32, #tpu.memory_space<vmem>>
    %dma_wait3A_64 = arith.constant 0 : i32
    %dma_wait3A_65 = arith.constant 0 : i32
    %dma_wait3A_66 = tpu.memref_slice %arg2[%dma_wait3A_64, %dma_wait3A_65] : memref<100000x1024xf32, #tpu.memory_space<hbm>> -> memref<100000x1024xf32, #tpu.memory_space<hbm>>
    tpu.wait_indirect_dma semaphore(%arg9 : memref<!tpu.dma_semaphore, #tpu.memory_space<semaphore_mem>>) src(%dma_wait3A_66 : memref<100000x1024xf32, #tpu.memory_space<hbm>>) dst(%arg7 : memref<32x1024xf32, #tpu.memory_space<vmem>>)
    %add3A_67 = arith.constant 96 : i32
    %add3A_68 = arith.addi %mul3A_2, %add3A_67 : i32
    %dma_start3A_69 = arith.constant 0 : i32
    %dma_start3A_70 = tpu.memref_slice %arg4[%add3A_68, %dma_start3A_69] : memref<4096x1024xf32, #tpu.memory_space<hbm>> -> memref<32x1024xf32, #tpu.memory_space<hbm>>
    %dma_start3A_71 = arith.constant 0 : i32
    %dma_start3A_72 = tpu.memref_slice %arg4[%add3A_68, %dma_start3A_71] : memref<4096x1024xf32, #tpu.memory_space<hbm>> -> memref<32x1024xf32, #tpu.memory_space<hbm>>
    tpu.enqueue_dma source(%arg7 : memref<32x1024xf32, #tpu.memory_space<vmem>>) target(%dma_start3A_72 : memref<32x1024xf32, #tpu.memory_space<hbm>>) target_semaphore(%arg11 : memref<!tpu.dma_semaphore, #tpu.memory_space<semaphore_mem>>)
    %dma_wait3A_73 = arith.constant 0 : i32
    %dma_wait3A_74 = tpu.memref_slice %arg4[%add3A_57, %dma_wait3A_73] : memref<4096x1024xf32, #tpu.memory_space<hbm>> -> memref<32x1024xf32, #tpu.memory_space<hbm>>
    %dma_wait3A_75 = arith.constant 0 : i32
    %dma_wait3A_76 = tpu.memref_slice %arg4[%add3A_57, %dma_wait3A_75] : memref<4096x1024xf32, #tpu.memory_space<hbm>> -> memref<32x1024xf32, #tpu.memory_space<hbm>>
    tpu.wait_dma2 semaphore(%arg10 : memref<!tpu.dma_semaphore, #tpu.memory_space<semaphore_mem>>) src(%arg6 : memref<32x1024xf32, #tpu.memory_space<vmem>>) dst(%dma_wait3A_76 : memref<32x1024xf32, #tpu.memory_space<hbm>>)
    %dma_wait3A_77 = arith.constant 0 : i32
    %dma_wait3A_78 = tpu.memref_slice %arg4[%add3A_68, %dma_wait3A_77] : memref<4096x1024xf32, #tpu.memory_space<hbm>> -> memref<32x1024xf32, #tpu.memory_space<hbm>>
    %dma_wait3A_79 = arith.constant 0 : i32
    %dma_wait3A_80 = tpu.memref_slice %arg4[%add3A_68, %dma_wait3A_79] : memref<4096x1024xf32, #tpu.memory_space<hbm>> -> memref<32x1024xf32, #tpu.memory_space<hbm>>
    tpu.wait_dma2 semaphore(%arg11 : memref<!tpu.dma_semaphore, #tpu.memory_space<semaphore_mem>>) src(%arg7 : memref<32x1024xf32, #tpu.memory_space<vmem>>) dst(%dma_wait3A_80 : memref<32x1024xf32, #tpu.memory_space<hbm>>)
    return
  }
}

#map = affine_map<(d0, d1) -> (0, 0)>
#map1 = affine_map<(d0, d1) -> (0)>
module attributes {stable_mosaic.version = 14 : i64} {
  func.func @gather_kernel(%arg0: i32, %arg1: i32, %arg2: memref<100000x1024xf32, #tpu.memory_space<hbm>>, %arg3: memref<4096xi32, #tpu.memory_space<hbm>>, %arg4: memref<4096x1024xf32, #tpu.memory_space<hbm>>, %arg5: memref<128xi32, #tpu.memory_space<vmem>>, %arg6: memref<32x1024xf32, #tpu.memory_space<vmem>>, %arg7: memref<32x1024xf32, #tpu.memory_space<vmem>>, %arg8: memref<!tpu.dma_semaphore, #tpu.memory_space<semaphore_mem>>, %arg9: memref<!tpu.dma_semaphore, #tpu.memory_space<semaphore_mem>>, %arg10: memref<!tpu.dma_semaphore, #tpu.memory_space<semaphore_mem>>, %arg11: memref<!tpu.dma_semaphore, #tpu.memory_space<semaphore_mem>>) attributes {dimension_semantics = [#tpu.dimension_semantics<core_parallel>, #tpu.dimension_semantics<subcore_parallel>], iteration_bounds = array<i64: 2, 16>, scalar_prefetch = 0 : i64, scratch_operands = 7 : i64, tpu.core_type = #tpu.core_type<sc_vector_subcore>, window_params = [{transform_indices = #map}, {transform_indices = #map1}, {transform_indices = #map}]} {
    %mul3A = arith.constant 2 : i32
    %mul3A_0 = arith.muli %arg1, %mul3A : i32
    %add3A = arith.addi %mul3A_0, %arg0 : i32
    %mul3A_1 = arith.constant 128 : i32
    %mul3A_2 = arith.muli %add3A, %mul3A_1 : i32
    "tpu.region"() ({
      %run_scoped3A = tpu.sem_alloc : memref<!tpu.dma_semaphore, #tpu.memory_space<semaphore_mem>>
      %dma_start3A_81 = tpu.memref_slice %arg3[%mul3A_2] : memref<4096xi32, #tpu.memory_space<hbm>> -> memref<128xi32, #tpu.memory_space<hbm>>
      %dma_start3A_82 = tpu.memref_slice %arg3[%mul3A_2] : memref<4096xi32, #tpu.memory_space<hbm>> -> memref<128xi32, #tpu.memory_space<hbm>>
      tpu.enqueue_dma source(%dma_start3A_82 : memref<128xi32, #tpu.memory_space<hbm>>) target(%arg5 : memref<128xi32, #tpu.memory_space<vmem>>) target_semaphore(%run_scoped3A : memref<!tpu.dma_semaphore, #tpu.memory_space<semaphore_mem>>)
      %dma_wait3A_83 = tpu.memref_slice %arg3[%mul3A_2] : memref<4096xi32, #tpu.memory_space<hbm>> -> memref<128xi32, #tpu.memory_space<hbm>>
      %dma_wait3A_84 = tpu.memref_slice %arg3[%mul3A_2] : memref<4096xi32, #tpu.memory_space<hbm>> -> memref<128xi32, #tpu.memory_space<hbm>>
      tpu.wait_dma2 semaphore(%run_scoped3A : memref<!tpu.dma_semaphore, #tpu.memory_space<semaphore_mem>>) src(%dma_wait3A_84 : memref<128xi32, #tpu.memory_space<hbm>>) dst(%arg5 : memref<128xi32, #tpu.memory_space<vmem>>)
      tpu.yield
    }) : () -> ()
    %dma_start3A = arith.constant 0 : i32
    %dma_start3A_3 = tpu.memref_slice %arg5[%dma_start3A] : memref<128xi32, #tpu.memory_space<vmem>> -> memref<32xi32, #tpu.memory_space<vmem>>
    %dma_start3A_4 = arith.constant 0 : i32
    %dma_start3A_5 = arith.constant 0 : i32
    %dma_start3A_6 = tpu.memref_slice %arg2[%dma_start3A_4, %dma_start3A_5] : memref<100000x1024xf32, #tpu.memory_space<hbm>> -> memref<100000x1024xf32, #tpu.memory_space<hbm>>
    tpu.enqueue_indirect_dma source(%dma_start3A_6 : memref<100000x1024xf32, #tpu.memory_space<hbm>>) target(%arg6 : memref<32x1024xf32, #tpu.memory_space<vmem>>) offsets(%dma_start3A_3 : memref<32xi32, #tpu.memory_space<vmem>>) semaphore(%arg8 : memref<!tpu.dma_semaphore, #tpu.memory_space<semaphore_mem>>)
    %dma_wait3A = arith.constant 0 : i32
    %dma_wait3A_7 = tpu.memref_slice %arg5[%dma_wait3A] : memref<128xi32, #tpu.memory_space<vmem>> -> memref<32xi32, #tpu.memory_space<vmem>>
    %dma_wait3A_8 = arith.constant 0 : i32
    %dma_wait3A_9 = arith.constant 0 : i32
    %dma_wait3A_10 = tpu.memref_slice %arg2[%dma_wait3A_8, %dma_wait3A_9] : memref<100000x1024xf32, #tpu.memory_space<hbm>> -> memref<100000x1024xf32, #tpu.memory_space<hbm>>
    tpu.wait_indirect_dma semaphore(%arg8 : memref<!tpu.dma_semaphore, #tpu.memory_space<semaphore_mem>>) src(%dma_wait3A_10 : memref<100000x1024xf32, #tpu.memory_space<hbm>>) dst(%arg6 : memref<32x1024xf32, #tpu.memory_space<vmem>>)
    %dma_start3A_11 = arith.constant 32 : i32
    %dma_start3A_12 = tpu.memref_slice %arg5[%dma_start3A_11] : memref<128xi32, #tpu.memory_space<vmem>> -> memref<32xi32, #tpu.memory_space<vmem>>
    %dma_start3A_13 = arith.constant 0 : i32
    %dma_start3A_14 = arith.constant 0 : i32
    %dma_start3A_15 = tpu.memref_slice %arg2[%dma_start3A_13, %dma_start3A_14] : memref<100000x1024xf32, #tpu.memory_space<hbm>> -> memref<100000x1024xf32, #tpu.memory_space<hbm>>
    tpu.enqueue_indirect_dma source(%dma_start3A_15 : memref<100000x1024xf32, #tpu.memory_space<hbm>>) target(%arg7 : memref<32x1024xf32, #tpu.memory_space<vmem>>) offsets(%dma_start3A_12 : memref<32xi32, #tpu.memory_space<vmem>>) semaphore(%arg9 : memref<!tpu.dma_semaphore, #tpu.memory_space<semaphore_mem>>)
    %add3A_16 = arith.constant 0 : i32
    %add3A_17 = arith.addi %mul3A_2, %add3A_16 : i32
    %dma_start3A_18 = arith.constant 0 : i32
    %dma_start3A_19 = tpu.memref_slice %arg4[%add3A_17, %dma_start3A_18] : memref<4096x1024xf32, #tpu.memory_space<hbm>> -> memref<32x1024xf32, #tpu.memory_space<hbm>>
    %dma_start3A_20 = arith.constant 0 : i32
    %dma_start3A_21 = tpu.memref_slice %arg4[%add3A_17, %dma_start3A_20] : memref<4096x1024xf32, #tpu.memory_space<hbm>> -> memref<32x1024xf32, #tpu.memory_space<hbm>>
    tpu.enqueue_dma source(%arg6 : memref<32x1024xf32, #tpu.memory_space<vmem>>) target(%dma_start3A_21 : memref<32x1024xf32, #tpu.memory_space<hbm>>) target_semaphore(%arg10 : memref<!tpu.dma_semaphore, #tpu.memory_space<semaphore_mem>>)
    %dma_wait3A_22 = arith.constant 32 : i32
    %dma_wait3A_23 = tpu.memref_slice %arg5[%dma_wait3A_22] : memref<128xi32, #tpu.memory_space<vmem>> -> memref<32xi32, #tpu.memory_space<vmem>>
    %dma_wait3A_24 = arith.constant 0 : i32
    %dma_wait3A_25 = arith.constant 0 : i32
    %dma_wait3A_26 = tpu.memref_slice %arg2[%dma_wait3A_24, %dma_wait3A_25] : memref<100000x1024xf32, #tpu.memory_space<hbm>> -> memref<100000x1024xf32, #tpu.memory_space<hbm>>
    tpu.wait_indirect_dma semaphore(%arg9 : memref<!tpu.dma_semaphore, #tpu.memory_space<semaphore_mem>>) src(%dma_wait3A_26 : memref<100000x1024xf32, #tpu.memory_space<hbm>>) dst(%arg7 : memref<32x1024xf32, #tpu.memory_space<vmem>>)
    %dma_wait3A_27 = arith.constant 0 : i32
    %dma_wait3A_28 = tpu.memref_slice %arg4[%add3A_17, %dma_wait3A_27] : memref<4096x1024xf32, #tpu.memory_space<hbm>> -> memref<32x1024xf32, #tpu.memory_space<hbm>>
    %dma_wait3A_29 = arith.constant 0 : i32
    %dma_wait3A_30 = tpu.memref_slice %arg4[%add3A_17, %dma_wait3A_29] : memref<4096x1024xf32, #tpu.memory_space<hbm>> -> memref<32x1024xf32, #tpu.memory_space<hbm>>
    tpu.wait_dma2 semaphore(%arg10 : memref<!tpu.dma_semaphore, #tpu.memory_space<semaphore_mem>>) src(%arg6 : memref<32x1024xf32, #tpu.memory_space<vmem>>) dst(%dma_wait3A_30 : memref<32x1024xf32, #tpu.memory_space<hbm>>)
    %dma_start3A_31 = arith.constant 64 : i32
    %dma_start3A_32 = tpu.memref_slice %arg5[%dma_start3A_31] : memref<128xi32, #tpu.memory_space<vmem>> -> memref<32xi32, #tpu.memory_space<vmem>>
    %dma_start3A_33 = arith.constant 0 : i32
    %dma_start3A_34 = arith.constant 0 : i32
    %dma_start3A_35 = tpu.memref_slice %arg2[%dma_start3A_33, %dma_start3A_34] : memref<100000x1024xf32, #tpu.memory_space<hbm>> -> memref<100000x1024xf32, #tpu.memory_space<hbm>>
    tpu.enqueue_indirect_dma source(%dma_start3A_35 : memref<100000x1024xf32, #tpu.memory_space<hbm>>) target(%arg6 : memref<32x1024xf32, #tpu.memory_space<vmem>>) offsets(%dma_start3A_32 : memref<32xi32, #tpu.memory_space<vmem>>) semaphore(%arg8 : memref<!tpu.dma_semaphore, #tpu.memory_space<semaphore_mem>>)
    %add3A_36 = arith.constant 32 : i32
    %add3A_37 = arith.addi %mul3A_2, %add3A_36 : i32
    %dma_start3A_38 = arith.constant 0 : i32
    %dma_start3A_39 = tpu.memref_slice %arg4[%add3A_37, %dma_start3A_38] : memref<4096x1024xf32, #tpu.memory_space<hbm>> -> memref<32x1024xf32, #tpu.memory_space<hbm>>
    %dma_start3A_40 = arith.constant 0 : i32
    %dma_start3A_41 = tpu.memref_slice %arg4[%add3A_37, %dma_start3A_40] : memref<4096x1024xf32, #tpu.memory_space<hbm>> -> memref<32x1024xf32, #tpu.memory_space<hbm>>
    tpu.enqueue_dma source(%arg7 : memref<32x1024xf32, #tpu.memory_space<vmem>>) target(%dma_start3A_41 : memref<32x1024xf32, #tpu.memory_space<hbm>>) target_semaphore(%arg11 : memref<!tpu.dma_semaphore, #tpu.memory_space<semaphore_mem>>)
    %dma_wait3A_42 = arith.constant 64 : i32
    %dma_wait3A_43 = tpu.memref_slice %arg5[%dma_wait3A_42] : memref<128xi32, #tpu.memory_space<vmem>> -> memref<32xi32, #tpu.memory_space<vmem>>
    %dma_wait3A_44 = arith.constant 0 : i32
    %dma_wait3A_45 = arith.constant 0 : i32
    %dma_wait3A_46 = tpu.memref_slice %arg2[%dma_wait3A_44, %dma_wait3A_45] : memref<100000x1024xf32, #tpu.memory_space<hbm>> -> memref<100000x1024xf32, #tpu.memory_space<hbm>>
    tpu.wait_indirect_dma semaphore(%arg8 : memref<!tpu.dma_semaphore, #tpu.memory_space<semaphore_mem>>) src(%dma_wait3A_46 : memref<100000x1024xf32, #tpu.memory_space<hbm>>) dst(%arg6 : memref<32x1024xf32, #tpu.memory_space<vmem>>)
    %dma_wait3A_47 = arith.constant 0 : i32
    %dma_wait3A_48 = tpu.memref_slice %arg4[%add3A_37, %dma_wait3A_47] : memref<4096x1024xf32, #tpu.memory_space<hbm>> -> memref<32x1024xf32, #tpu.memory_space<hbm>>
    %dma_wait3A_49 = arith.constant 0 : i32
    %dma_wait3A_50 = tpu.memref_slice %arg4[%add3A_37, %dma_wait3A_49] : memref<4096x1024xf32, #tpu.memory_space<hbm>> -> memref<32x1024xf32, #tpu.memory_space<hbm>>
    tpu.wait_dma2 semaphore(%arg11 : memref<!tpu.dma_semaphore, #tpu.memory_space<semaphore_mem>>) src(%arg7 : memref<32x1024xf32, #tpu.memory_space<vmem>>) dst(%dma_wait3A_50 : memref<32x1024xf32, #tpu.memory_space<hbm>>)
    %dma_start3A_51 = arith.constant 96 : i32
    %dma_start3A_52 = tpu.memref_slice %arg5[%dma_start3A_51] : memref<128xi32, #tpu.memory_space<vmem>> -> memref<32xi32, #tpu.memory_space<vmem>>
    %dma_start3A_53 = arith.constant 0 : i32
    %dma_start3A_54 = arith.constant 0 : i32
    %dma_start3A_55 = tpu.memref_slice %arg2[%dma_start3A_53, %dma_start3A_54] : memref<100000x1024xf32, #tpu.memory_space<hbm>> -> memref<100000x1024xf32, #tpu.memory_space<hbm>>
    tpu.enqueue_indirect_dma source(%dma_start3A_55 : memref<100000x1024xf32, #tpu.memory_space<hbm>>) target(%arg7 : memref<32x1024xf32, #tpu.memory_space<vmem>>) offsets(%dma_start3A_52 : memref<32xi32, #tpu.memory_space<vmem>>) semaphore(%arg9 : memref<!tpu.dma_semaphore, #tpu.memory_space<semaphore_mem>>)
    %add3A_56 = arith.constant 64 : i32
    %add3A_57 = arith.addi %mul3A_2, %add3A_56 : i32
    %dma_start3A_58 = arith.constant 0 : i32
    %dma_start3A_59 = tpu.memref_slice %arg4[%add3A_57, %dma_start3A_58] : memref<4096x1024xf32, #tpu.memory_space<hbm>> -> memref<32x1024xf32, #tpu.memory_space<hbm>>
    %dma_start3A_60 = arith.constant 0 : i32
    %dma_start3A_61 = tpu.memref_slice %arg4[%add3A_57, %dma_start3A_60] : memref<4096x1024xf32, #tpu.memory_space<hbm>> -> memref<32x1024xf32, #tpu.memory_space<hbm>>
    tpu.enqueue_dma source(%arg6 : memref<32x1024xf32, #tpu.memory_space<vmem>>) target(%dma_start3A_61 : memref<32x1024xf32, #tpu.memory_space<hbm>>) target_semaphore(%arg10 : memref<!tpu.dma_semaphore, #tpu.memory_space<semaphore_mem>>)
    %dma_wait3A_62 = arith.constant 96 : i32
    %dma_wait3A_63 = tpu.memref_slice %arg5[%dma_wait3A_62] : memref<128xi32, #tpu.memory_space<vmem>> -> memref<32xi32, #tpu.memory_space<vmem>>
    %dma_wait3A_64 = arith.constant 0 : i32
    %dma_wait3A_65 = arith.constant 0 : i32
    %dma_wait3A_66 = tpu.memref_slice %arg2[%dma_wait3A_64, %dma_wait3A_65] : memref<100000x1024xf32, #tpu.memory_space<hbm>> -> memref<100000x1024xf32, #tpu.memory_space<hbm>>
    tpu.wait_indirect_dma semaphore(%arg9 : memref<!tpu.dma_semaphore, #tpu.memory_space<semaphore_mem>>) src(%dma_wait3A_66 : memref<100000x1024xf32, #tpu.memory_space<hbm>>) dst(%arg7 : memref<32x1024xf32, #tpu.memory_space<vmem>>)
    %add3A_67 = arith.constant 96 : i32
    %add3A_68 = arith.addi %mul3A_2, %add3A_67 : i32
    %dma_start3A_69 = arith.constant 0 : i32
    %dma_start3A_70 = tpu.memref_slice %arg4[%add3A_68, %dma_start3A_69] : memref<4096x1024xf32, #tpu.memory_space<hbm>> -> memref<32x1024xf32, #tpu.memory_space<hbm>>
    %dma_start3A_71 = arith.constant 0 : i32
    %dma_start3A_72 = tpu.memref_slice %arg4[%add3A_68, %dma_start3A_71] : memref<4096x1024xf32, #tpu.memory_space<hbm>> -> memref<32x1024xf32, #tpu.memory_space<hbm>>
    tpu.enqueue_dma source(%arg7 : memref<32x1024xf32, #tpu.memory_space<vmem>>) target(%dma_start3A_72 : memref<32x1024xf32, #tpu.memory_space<hbm>>) target_semaphore(%arg11 : memref<!tpu.dma_semaphore, #tpu.memory_space<semaphore_mem>>)
    %dma_wait3A_73 = arith.constant 0 : i32
    %dma_wait3A_74 = tpu.memref_slice %arg4[%add3A_57, %dma_wait3A_73] : memref<4096x1024xf32, #tpu.memory_space<hbm>> -> memref<32x1024xf32, #tpu.memory_space<hbm>>
    %dma_wait3A_75 = arith.constant 0 : i32
    %dma_wait3A_76 = tpu.memref_slice %arg4[%add3A_57, %dma_wait3A_75] : memref<4096x1024xf32, #tpu.memory_space<hbm>> -> memref<32x1024xf32, #tpu.memory_space<hbm>>
    tpu.wait_dma2 semaphore(%arg10 : memref<!tpu.dma_semaphore, #tpu.memory_space<semaphore_mem>>) src(%arg6 : memref<32x1024xf32, #tpu.memory_space<vmem>>) dst(%dma_wait3A_76 : memref<32x1024xf32, #tpu.memory_space<hbm>>)
    %dma_wait3A_77 = arith.constant 0 : i32
    %dma_wait3A_78 = tpu.memref_slice %arg4[%add3A_68, %dma_wait3A_77] : memref<4096x1024xf32, #tpu.memory_space<hbm>> -> memref<32x1024xf32, #tpu.memory_space<hbm>>
    %dma_wait3A_79 = arith.constant 0 : i32
    %dma_wait3A_80 = tpu.memref_slice %arg4[%add3A_68, %dma_wait3A_79] : memref<4096x1024xf32, #tpu.memory_space<hbm>> -> memref<32x1024xf32, #tpu.memory_space<hbm>>
    tpu.wait_dma2 semaphore(%arg11 : memref<!tpu.dma_semaphore, #tpu.memory_space<semaphore_mem>>) src(%arg7 : memref<32x1024xf32, #tpu.memory_space<vmem>>) dst(%dma_wait3A_80 : memref<32x1024xf32, #tpu.memory_space<hbm>>)
    return
  }
}

module attributes {stable_mosaic.version = 14 : i64} {
  func.func @body(%arg0: i32, %arg1: memref<1024x1024xf32, #tpu.memory_space<vmem>>, %arg2: memref<2048x1024xbf16, #tpu.memory_space<vmem>>, %arg3: memref<1x1024xf32, #tpu.memory_space<vmem>>, %arg4: memref<1x1024xf32, #tpu.memory_space<vmem>>, %arg5: memref<1024x1024xf32, #tpu.memory_space<vmem>>) attributes {dimension_semantics = [#tpu.dimension_semantics<arbitrary>], iteration_bounds = array<i64: 4>, scalar_prefetch = 0 : i64, scratch_operands = 0 : i64, tpu.core_type = #tpu.core_type<tc>, window_params = [{transform_indices = @transform_0, window_bounds = array<i64: 1024, 1024>}, {pipeline_mode = #tpu.pipeline_mode<synchronous>, transform_indices = @transform_1, window_bounds = array<i64: 2048, 1024>}, {pipeline_mode = #tpu.pipeline_mode<synchronous>, transform_indices = @transform_2, window_bounds = array<i64: 1, 1024>}, {pipeline_mode = #tpu.pipeline_mode<synchronous>, transform_indices = @transform_3, window_bounds = array<i64: 1, 1024>}, {transform_indices = @transform_4, window_bounds = array<i64: 1024, 1024>}]} {
    %jit3A = arith.constant 2 : i32
    %eq3A = arith.constant 0 : i32
    %eq3A_0 = arith.cmpi eq, %jit3A, %eq3A : i32
    %jit3A_1 = arith.constant 1 : i32
    %select_n3A = arith.select %eq3A_0, %jit3A_1, %jit3A : i32
    %rem3A = arith.remsi %arg0, %select_n3A : i32
    %ne3A = arith.constant 0 : i32
    %ne3A_2 = arith.cmpi ne, %rem3A, %ne3A : i32
    %lt3A = arith.constant 0 : i32
    %lt3A_3 = arith.cmpi slt, %rem3A, %lt3A : i32
    %lt3A_4 = arith.constant 0 : i32
    %lt3A_5 = arith.cmpi slt, %select_n3A, %lt3A_4 : i32
    %ne3A_6 = arith.xori %lt3A_3, %lt3A_5 : i1
    %and3A = arith.andi %ne3A_6, %ne3A_2 : i1
    %add3A = arith.addi %rem3A, %select_n3A : i32
    %select_n3A_7 = arith.select %and3A, %add3A, %rem3A : i32
    %mul3A = arith.constant 1024 : i32
    %mul3A_8 = arith.muli %select_n3A_7, %mul3A : i32
    %get3A = arith.index_cast %mul3A_8 : i32 to index
    %get3A_9 = arith.constant 0 : index
    %get3A_10 = vector.load %arg2[%get3A, %get3A_9] : memref<2048x1024xbf16, #tpu.memory_space<vmem>>, vector<1024x1024xbf16>
    %get3A_11 = arith.constant 0 : index
    %get3A_12 = arith.constant 0 : index
    %get3A_13 = vector.load %arg1[%get3A_11, %get3A_12] : memref<1024x1024xf32, #tpu.memory_space<vmem>>, vector<1024x1024xf32>
    %convert_element_type3A = arith.extf %get3A_10 : vector<1024x1024xbf16> to vector<1024x1024xf32>
    %add3A_14 = arith.addf %get3A_13, %convert_element_type3A : vector<1024x1024xf32>
    %reduce_sum3A = arith.constant dense<0.000000e+00> : vector<1024xf32>
    %reduce_sum3A_15 = vector.multi_reduction <add>, %add3A_14, %reduce_sum3A [1] : vector<1024x1024xf32> to vector<1024xf32>
    %broadcast_in_dim3A = vector.shape_cast %reduce_sum3A_15 : vector<1024xf32> to vector<1024x1xf32>
    %div3A = arith.constant 1.024000e+03 : f32
    %div3A_16 = vector.broadcast %div3A : f32 to vector<1024x1xf32>
    %div3A_17 = arith.divf %broadcast_in_dim3A, %div3A_16 : vector<1024x1xf32>
    %sub3A = vector.broadcast %div3A_17 : vector<1024x1xf32> to vector<1024x1024xf32>
    %sub3A_18 = arith.subf %add3A_14, %sub3A : vector<1024x1024xf32>
    %mul3A_19 = arith.mulf %sub3A_18, %sub3A_18 : vector<1024x1024xf32>
    %reduce_sum3A_20 = arith.constant dense<0.000000e+00> : vector<1024xf32>
    %reduce_sum3A_21 = vector.multi_reduction <add>, %mul3A_19, %reduce_sum3A_20 [1] : vector<1024x1024xf32> to vector<1024xf32>
    %broadcast_in_dim3A_22 = vector.shape_cast %reduce_sum3A_21 : vector<1024xf32> to vector<1024x1xf32>
    %div3A_23 = arith.constant 1.024000e+03 : f32
    %div3A_24 = vector.broadcast %div3A_23 : f32 to vector<1024x1xf32>
    %div3A_25 = arith.divf %broadcast_in_dim3A_22, %div3A_24 : vector<1024x1xf32>
    %add3A_26 = arith.constant 9.99999974E-6 : f32
    %add3A_27 = vector.broadcast %add3A_26 : f32 to vector<1024x1xf32>
    %add3A_28 = arith.addf %div3A_25, %add3A_27 : vector<1024x1xf32>
    %rsqrt3A = math.rsqrt %add3A_28 : vector<1024x1xf32>
    %mul3A_29 = vector.broadcast %rsqrt3A : vector<1024x1xf32> to vector<1024x1024xf32>
    %mul3A_30 = arith.mulf %sub3A_18, %mul3A_29 : vector<1024x1024xf32>
    %get3A_31 = arith.constant 0 : index
    %get3A_32 = arith.constant 0 : index
    %get3A_33 = vector.load %arg3[%get3A_31, %get3A_32] : memref<1x1024xf32, #tpu.memory_space<vmem>>, vector<1x1024xf32>
    %mul3A_34 = vector.broadcast %get3A_33 : vector<1x1024xf32> to vector<1024x1024xf32>
    %mul3A_35 = arith.mulf %mul3A_30, %mul3A_34 : vector<1024x1024xf32>
    %get3A_36 = arith.constant 0 : index
    %get3A_37 = arith.constant 0 : index
    %get3A_38 = vector.load %arg4[%get3A_36, %get3A_37] : memref<1x1024xf32, #tpu.memory_space<vmem>>, vector<1x1024xf32>
    %add3A_39 = vector.broadcast %get3A_38 : vector<1x1024xf32> to vector<1024x1024xf32>
    %add3A_40 = arith.addf %mul3A_35, %add3A_39 : vector<1024x1024xf32>
    %swap3A = arith.constant 0 : index
    %swap3A_41 = arith.constant 0 : index
    %swap3A_42 = vector.load %arg5[%swap3A, %swap3A_41] : memref<1024x1024xf32, #tpu.memory_space<vmem>>, vector<1024x1024xf32>
    tpu.vector_store %arg5[%swap3A, %swap3A_41], %add3A_40 {strides = array<i32>} : memref<1024x1024xf32, #tpu.memory_space<vmem>>, vector<1024x1024xf32>,
    return
  }
  func.func @transform_0(%arg0: i32) -> (i32, i32) {
    %c0_i32 = arith.constant 0 : i32
    %c0_i32_0 = arith.constant 0 : i32
    return %arg0, %c0_i32 : i32, i32
  }
  func.func @transform_1(%arg0: i32) -> (i32, i32) {
    %c0_i32 = arith.constant 0 : i32
    %c0_i32_0 = arith.constant 0 : i32
    %c0_i32_1 = arith.constant 0 : i32
    return %c0_i32, %c0_i32_0 : i32, i32
  }
  func.func @transform_2(%arg0: i32) -> (i32, i32) {
    %c0_i32 = arith.constant 0 : i32
    %c0_i32_0 = arith.constant 0 : i32
    %c0_i32_1 = arith.constant 0 : i32
    return %c0_i32, %c0_i32_0 : i32, i32
  }
  func.func @transform_3(%arg0: i32) -> (i32, i32) {
    %c0_i32 = arith.constant 0 : i32
    %c0_i32_0 = arith.constant 0 : i32
    %c0_i32_1 = arith.constant 0 : i32
    return %c0_i32, %c0_i32_0 : i32, i32
  }
  func.func @transform_4(%arg0: i32) -> (i32, i32) {
    %add3A = arith.constant 0 : i32
    %add3A_0 = arith.addi %add3A, %arg0 : i32
    %c0_i32 = arith.constant 0 : i32
    %c0_i32_1 = arith.constant 0 : i32
    return %add3A_0, %c0_i32 : i32, i32
  }
}

module attributes {stable_mosaic.version = 14 : i64} {
  func.func @body(%arg0: i32, %arg1: memref<1024x1024xf32, #tpu.memory_space<vmem>>, %arg2: memref<2048x1024xbf16, #tpu.memory_space<vmem>>, %arg3: memref<1x1024xf32, #tpu.memory_space<vmem>>, %arg4: memref<1x1024xf32, #tpu.memory_space<vmem>>, %arg5: memref<8192x1024xf32, #tpu.memory_space<any>>, %arg6: memref<1024x1024xf32, #tpu.memory_space<vmem>>) attributes {dimension_semantics = [#tpu.dimension_semantics<arbitrary>], iteration_bounds = array<i64: 4>, scalar_prefetch = 0 : i64, scratch_operands = 0 : i64, tpu.core_type = #tpu.core_type<tc>, window_params = [{transform_indices = @transform_0, window_bounds = array<i64: 1024, 1024>}, {pipeline_mode = #tpu.pipeline_mode<synchronous>, transform_indices = @transform_1, window_bounds = array<i64: 2048, 1024>}, {pipeline_mode = #tpu.pipeline_mode<synchronous>, transform_indices = @transform_2, window_bounds = array<i64: 1, 1024>}, {pipeline_mode = #tpu.pipeline_mode<synchronous>, transform_indices = @transform_3, window_bounds = array<i64: 1, 1024>}, {}, {transform_indices = @transform_5, window_bounds = array<i64: 1024, 1024>}]} {
    %jit3A = arith.constant 2 : i32
    %eq3A = arith.constant 0 : i32
    %eq3A_0 = arith.cmpi eq, %jit3A, %eq3A : i32
    %jit3A_1 = arith.constant 1 : i32
    %select_n3A = arith.select %eq3A_0, %jit3A_1, %jit3A : i32
    %rem3A = arith.remsi %arg0, %select_n3A : i32
    %ne3A = arith.constant 0 : i32
    %ne3A_2 = arith.cmpi ne, %rem3A, %ne3A : i32
    %lt3A = arith.constant 0 : i32
    %lt3A_3 = arith.cmpi slt, %rem3A, %lt3A : i32
    %lt3A_4 = arith.constant 0 : i32
    %lt3A_5 = arith.cmpi slt, %select_n3A, %lt3A_4 : i32
    %ne3A_6 = arith.xori %lt3A_3, %lt3A_5 : i1
    %and3A = arith.andi %ne3A_6, %ne3A_2 : i1
    %add3A = arith.addi %rem3A, %select_n3A : i32
    %select_n3A_7 = arith.select %and3A, %add3A, %rem3A : i32
    %mul3A = arith.constant 1024 : i32
    %mul3A_8 = arith.muli %select_n3A_7, %mul3A : i32
    %get3A = arith.index_cast %mul3A_8 : i32 to index
    %get3A_9 = arith.constant 0 : index
    %get3A_10 = vector.load %arg2[%get3A, %get3A_9] : memref<2048x1024xbf16, #tpu.memory_space<vmem>>, vector<1024x1024xbf16>
    %get3A_11 = arith.constant 0 : index
    %get3A_12 = arith.constant 0 : index
    %get3A_13 = vector.load %arg1[%get3A_11, %get3A_12] : memref<1024x1024xf32, #tpu.memory_space<vmem>>, vector<1024x1024xf32>
    %convert_element_type3A = arith.extf %get3A_10 : vector<1024x1024xbf16> to vector<1024x1024xf32>
    %add3A_14 = arith.addf %get3A_13, %convert_element_type3A : vector<1024x1024xf32>
    %reduce_sum3A = arith.constant dense<0.000000e+00> : vector<1024xf32>
    %reduce_sum3A_15 = vector.multi_reduction <add>, %add3A_14, %reduce_sum3A [1] : vector<1024x1024xf32> to vector<1024xf32>
    %broadcast_in_dim3A = vector.shape_cast %reduce_sum3A_15 : vector<1024xf32> to vector<1024x1xf32>
    %div3A = arith.constant 1.024000e+03 : f32
    %div3A_16 = vector.broadcast %div3A : f32 to vector<1024x1xf32>
    %div3A_17 = arith.divf %broadcast_in_dim3A, %div3A_16 : vector<1024x1xf32>
    %sub3A = vector.broadcast %div3A_17 : vector<1024x1xf32> to vector<1024x1024xf32>
    %sub3A_18 = arith.subf %add3A_14, %sub3A : vector<1024x1024xf32>
    %mul3A_19 = arith.mulf %sub3A_18, %sub3A_18 : vector<1024x1024xf32>
    %reduce_sum3A_20 = arith.constant dense<0.000000e+00> : vector<1024xf32>
    %reduce_sum3A_21 = vector.multi_reduction <add>, %mul3A_19, %reduce_sum3A_20 [1] : vector<1024x1024xf32> to vector<1024xf32>
    %broadcast_in_dim3A_22 = vector.shape_cast %reduce_sum3A_21 : vector<1024xf32> to vector<1024x1xf32>
    %div3A_23 = arith.constant 1.024000e+03 : f32
    %div3A_24 = vector.broadcast %div3A_23 : f32 to vector<1024x1xf32>
    %div3A_25 = arith.divf %broadcast_in_dim3A_22, %div3A_24 : vector<1024x1xf32>
    %add3A_26 = arith.constant 9.99999974E-6 : f32
    %add3A_27 = vector.broadcast %add3A_26 : f32 to vector<1024x1xf32>
    %add3A_28 = arith.addf %div3A_25, %add3A_27 : vector<1024x1xf32>
    %rsqrt3A = math.rsqrt %add3A_28 : vector<1024x1xf32>
    %mul3A_29 = vector.broadcast %rsqrt3A : vector<1024x1xf32> to vector<1024x1024xf32>
    %mul3A_30 = arith.mulf %sub3A_18, %mul3A_29 : vector<1024x1024xf32>
    %get3A_31 = arith.constant 0 : index
    %get3A_32 = arith.constant 0 : index
    %get3A_33 = vector.load %arg3[%get3A_31, %get3A_32] : memref<1x1024xf32, #tpu.memory_space<vmem>>, vector<1x1024xf32>
    %mul3A_34 = vector.broadcast %get3A_33 : vector<1x1024xf32> to vector<1024x1024xf32>
    %mul3A_35 = arith.mulf %mul3A_30, %mul3A_34 : vector<1024x1024xf32>
    %get3A_36 = arith.constant 0 : index
    %get3A_37 = arith.constant 0 : index
    %get3A_38 = vector.load %arg4[%get3A_36, %get3A_37] : memref<1x1024xf32, #tpu.memory_space<vmem>>, vector<1x1024xf32>
    %add3A_39 = vector.broadcast %get3A_38 : vector<1x1024xf32> to vector<1024x1024xf32>
    %add3A_40 = arith.addf %mul3A_35, %add3A_39 : vector<1024x1024xf32>
    %swap3A = arith.constant 0 : index
    %swap3A_41 = arith.constant 0 : index
    %swap3A_42 = vector.load %arg6[%swap3A, %swap3A_41] : memref<1024x1024xf32, #tpu.memory_space<vmem>>, vector<1024x1024xf32>
    tpu.vector_store %arg6[%swap3A, %swap3A_41], %add3A_40 {strides = array<i32>} : memref<1024x1024xf32, #tpu.memory_space<vmem>>, vector<1024x1024xf32>,
    return
  }
  func.func @transform_0(%arg0: i32) -> (i32, i32) {
    %c0_i32 = arith.constant 0 : i32
    %c0_i32_0 = arith.constant 0 : i32
    return %arg0, %c0_i32 : i32, i32
  }
  func.func @transform_1(%arg0: i32) -> (i32, i32) {
    %c0_i32 = arith.constant 0 : i32
    %c0_i32_0 = arith.constant 0 : i32
    %c0_i32_1 = arith.constant 0 : i32
    return %c0_i32, %c0_i32_0 : i32, i32
  }
  func.func @transform_2(%arg0: i32) -> (i32, i32) {
    %c0_i32 = arith.constant 0 : i32
    %c0_i32_0 = arith.constant 0 : i32
    %c0_i32_1 = arith.constant 0 : i32
    return %c0_i32, %c0_i32_0 : i32, i32
  }
  func.func @transform_3(%arg0: i32) -> (i32, i32) {
    %c0_i32 = arith.constant 0 : i32
    %c0_i32_0 = arith.constant 0 : i32
    %c0_i32_1 = arith.constant 0 : i32
    return %c0_i32, %c0_i32_0 : i32, i32
  }
  func.func @transform_5(%arg0: i32) -> (i32, i32) {
    %add3A = arith.constant 4 : i32
    %add3A_0 = arith.addi %add3A, %arg0 : i32
    %c0_i32 = arith.constant 0 : i32
    %c0_i32_1 = arith.constant 0 : i32
    return %add3A_0, %c0_i32 : i32, i32
  }
}

</mosaic_0001>

<sc_bundles>
// kernel: kernel.6.cloned.1.call-start
scs
__scs_entry_jumppad:
0x0: {  	(pc) =	sbr.rel $0x88, $3  }
0x1: {  	(tag) =	ssettag $0x0;
	lr =	simm.s32 $0x1  }
0x2: {  	[smem:$0x3F9D] =	sst lr;
	_ =	strace $0xD0000000  }
0x3: {  	_ = 	snop  }
0x4: {  	_ = 	snop  }
0x5: {  	_ = 	snop  }
0x6: {  	_ = 	snop  }
0x7: {  	_ = 	snop  }
__scs_overlays_trampoline_lowered:
0x8: {  	[smem:$0x3FAC] =	sst s0  }
0x9: {  	[smem:$0x3FAD] =	sst s1  }
0xa: {  	[smem:$0x3FAE] =	sst s2  }
0xb: {  	[smem:$0x3FAF] =	sst s3  }
0xc: {  	[smem:$0x3FB0] =	sst s4  }
0xd: {  	[smem:$0x3FB1] =	sst s5  }
0xe: {  	[smem:$0x3FB2] =	sst s6  }
0xf: {  	[smem:$0x3FB3] =	sst s7  }
0x10: {  	[smem:$0x3FB4] =	sst s8  }
0x11: {  	[smem:$0x3FB5] =	sst s9;
	s0 =	simm.s32 @!p0 $0x0  }
0x12: {  	s1 =	sld [smem:$0x3F9B];
	s0 =	simm.s32 @p0 $0x1  }
0x13: {  	[smem:$0x3FB6] =	sst s0;
	s0 =	simm.s32 @!p1 $0x0  }
0x14: {  	s2 =	sld [smem:$0x3F9A];
	s0 =	simm.s32 @p1 $0x1  }
0x15: {  	[smem:$0x3FB7] =	sst s0;
	s0 =	simm.s32 @!p2 $0x0  }
0x16: {  	s3 =	sld [smem:$0x3FDB];
	s0 =	simm.s32 @p2 $0x1  }
0x17: {  	s4 =	simm.s32 $0x1BF5;
	[smem:$0x3FB9] =	sst s0  }
0x18: {  	s0 =	sld [smem:$0x3F9C];
	_ =	swait.ge [sflag:s4], $0x0  }
0x19: {  	s7 =	sld [smem:$0x3F9D]  }
0x1a: {  	s8 =	sadd.s32 $0xFFFFE003, lr  }
0x1b: {  	s9 =	sadd.s32 $0xFFFFFEF7, lr;
	s5 =	simm.s32 $0xFFFFFFFF;
	p2 =	slt.u32 s8, $0xFFFFF086  }
0x1c: {  	p1 =	slt.u32 s9, $0xF7A;
	s5 =	simm.s32 @!p2 $0x0  }
0x1d: {  	s5 =	simm.s32 @p1 $0x1;
	p0 =	seq.s32 s7, s2  }
0x1e: {  	s7 =	smul.u32 @!p0 $0xF7A, s2;
	p2 =	seq.s32 @!p0 s5, $0x0  }
0x1f: {  	s9 =	smul.u32 $0xF7A, s1;
	s8 =	simm.s32 @!p0 $0x1BF5;
	p2 =	por !p2, p0  }
0x20: {  	[sflag:s8] =	ssyncset.s32 @!p0 $0xFFFFF086;
	s6 =	sadd.s32 @!p0 s3, s7;
	s7 =	simm.s32 @!p0 $0x108  }
0x21: {  	s3 =	sadd.s32 s3, s9;
	s6 =	sadd.s32 @!p0 $0x88, s6;
	s7 =	simm.s32 @p2 $0x1082  }
0x22: {  	[simem:s7], [sflag:s8] =	dma.local @!p0 [hbm:s6], $0xF7A  }
0x23: {  	s9 =	sor.u32 $0xD0000000, s2;
	s6 =	simm.s32 $0x108;
	_ =	swait.ge @!p0 [sflag:s8], $0x0  }
0x24: {  	s3 =	sadd.s32 $0x88, s3;
	s6 =	simm.s32 @!p1 $0x1082;
	[sflag:s4] =	ssyncset.s32 $0xFFFFF086  }
0x25: {  	[simem:s6], [sflag:s4] =	dma.local [hbm:s3], $0xF7A  }
0x26: {  	[smem:$0x3F9D] =	sst s1;
	(tag) =	ssettag s2;
	_ =	strace s9  }
0x27: {  	s1 =	sld [smem:$0x3FAD]  }
0x28: {  	s2 =	sld [smem:$0x3FAE]  }
0x29: {  	s4 =	sld [smem:$0x3FB0]  }
0x2a: {  	p0 =	seq.s32 s5, $0x0;
	s5 =	sld [smem:$0x3FB1]  }
0x2b: {  	s6 =	sld [smem:$0x3FB2]  }
0x2c: {  	s7 =	sld [smem:$0x3FB3]  }
0x2d: {  	s3 =	simm.s32 $0x108;
	s8 =	sld [smem:$0x3FB4]  }
0x2e: {  	s3 =	simm.s32 @!p0 $0x1082;
	s9 =	sld [smem:$0x3FB5]  }
0x2f: {  	lr =	sadd.s32 s0, s3;
	s0 =	sld [smem:$0x3FAC]  }
0x30: {  	s3 =	sld [smem:$0x3FAF]  }
0x31: {  	[smem:$0x3FB8] =	sst s10  }
0x32: {  	s10 =	sld [smem:$0x3FB6];
	_ =	sdelay $0x3  }
0x33: {  	p0 =	seq.s32 s10, $0x1;
	s10 =	sld [smem:$0x3FB8];
	_ =	sdelay $0x3  }
0x34: {  	[smem:$0x3FB8] =	sst s10  }
0x35: {  	s10 =	sld [smem:$0x3FB7];
	_ =	sdelay $0x3  }
0x36: {  	p1 =	seq.s32 s10, $0x1;
	s10 =	sld [smem:$0x3FB8];
	_ =	sdelay $0x3  }
0x37: {  	[smem:$0x3FB8] =	sst s10  }
0x38: {  	s10 =	sld [smem:$0x3FB9]  }
0x39: {  	_ = 	snop;
	(pc) =	sbr.ind lr, $3  }
0x3a: {  	_ = 	snop  }
0x3b: {  	_ = 	snop  }
0x3c: {  	p2 =	seq.s32 s10, $0x1;
	s10 =	sld [smem:$0x3FB8]  }
0x3d: {  	_ =	shalt  }
0x3e: {  	_ =	shalt  }
0x3f: {  	_ =	shalt  }
0x40: {  	_ =	shalt  }
0x41: {  	_ =	shalt  }
0x42: {  	_ =	shalt  }
0x43: {  	_ =	shalt  }
0x44: {  	_ =	shalt  }
0x45: {  	_ =	shalt  }
0x46: {  	_ =	shalt  }
0x47: {  	_ =	shalt  }
0x48: {  	_ =	shalt  }
0x49: {  	_ =	shalt  }
0x4a: {  	_ =	shalt  }
0x4b: {  	_ =	shalt  }
0x4c: {  	_ =	shalt  }
0x4d: {  	_ =	shalt  }
0x4e: {  	_ =	shalt  }
0x4f: {  	_ =	shalt  }
0x50: {  	_ =	shalt  }
0x51: {  	_ =	shalt  }
0x52: {  	_ =	shalt  }
0x53: {  	_ =	shalt  }
0x54: {  	_ =	shalt  }
0x55: {  	_ =	shalt  }
0x56: {  	_ =	shalt  }
0x57: {  	_ =	shalt  }
0x58: {  	_ =	shalt  }
0x59: {  	_ =	shalt  }
0x5a: {  	_ =	shalt  }
0x5b: {  	_ =	shalt  }
0x5c: {  	_ =	shalt  }
0x5d: {  	_ =	shalt  }
0x5e: {  	_ =	shalt  }
0x5f: {  	_ =	shalt  }
0x60: {  	_ =	shalt  }
0x61: {  	_ =	shalt  }
0x62: {  	_ =	shalt  }
0x63: {  	_ =	shalt  }
0x64: {  	_ =	shalt  }
0x65: {  	_ =	shalt  }
0x66: {  	_ =	shalt  }
0x67: {  	_ =	shalt  }
0x68: {  	_ =	shalt  }
0x69: {  	_ =	shalt  }
0x6a: {  	_ =	shalt  }
0x6b: {  	_ =	shalt  }
0x6c: {  	_ =	shalt  }
0x6d: {  	_ =	shalt  }
0x6e: {  	_ =	shalt  }
0x6f: {  	_ =	shalt  }
0x70: {  	_ =	shalt  }
0x71: {  	_ =	shalt  }
0x72: {  	_ =	shalt  }
0x73: {  	_ =	shalt  }
0x74: {  	_ =	shalt  }
0x75: {  	_ =	shalt  }
0x76: {  	_ =	shalt  }
0x77: {  	_ =	shalt  }
0x78: {  	_ =	shalt  }
0x79: {  	_ =	shalt  }
0x7a: {  	_ =	shalt  }
0x7b: {  	_ =	shalt  }
0x7c: {  	_ =	shalt  }
0x7d: {  	_ =	shalt  }
0x7e: {  	_ =	shalt  }
0x7f: {  	_ =	shalt  }
0x80: {  	_ =	shalt  }
0x81: {  	_ =	shalt  }
0x82: {  	_ =	shalt  }
0x83: {  	_ =	shalt  }
0x84: {  	_ =	shalt  }
0x85: {  	_ =	shalt  }
0x86: {  	_ =	shalt  }
0x87: {  	_ =	shalt  }
.Lfunc_end0:
.L_simem_size_0:
called_computation_lowered:
.L_overlay_start_0:
0x88: {  	s2 =	sld [smem:$0x3FD9]  }
0x89: {  	s3 =	sld [smem:$0x3FFE];
	_ =	sdelay $0x1  }
0x8a: {  	s1 =	srdreg.scid  }
0x8b: {  	s0 =	sand.u32 $0x1, s1  }
0x8c: {  	s17 =	sshll.u32 s0, $0xA;
	s2 =	sadd.s32 s3, s2  }
0x8d: {  	s2 =	sadd.s32 s2, s17  }
0x8e: {  	[smem:$0x3FC4] =	sst s2  }
0x8f: {  	_ = 	snop  }
0x90: {  	s2 =	sld [smem:$0x3FC8]  }
0x91: {  	s18 =	sld [smem:$0x3FD0];
	(tm) =	ssettm $0x1  }
0x92: {  	s4 =	sld [smem:$0x3FFB];
	_ =	sdelay $0x3  }
0x93: {  	_ =	strace s4  }
0x94: {  	s4 =	sld [smem:$0x3FFC];
	_ =	sdelay $0x3  }
0x95: {  	_ =	strace s4  }
0x96: {  	s4 =	sld [smem:$0x3FFD];
	_ =	sdelay $0x3  }
0x97: {  	_ =	strace s4  }
0x98: {  	_ =	strace $0x8FFFFFFF  }
0x99: {  	s19 =	sld [smem:$0x3FDB];
	_ =	sdelay $0x1  }
0x9a: {  	s5 =	simm.s32 $_scs_section_size  }
0x9b: {  	s6 =	simm.s32 $_size__tile_overlayer_lowered;
	s7 =	simm.s32 $_tile_overlayer_lowered  }
0x9c: {  	s22 =	simm.s32 $0x1BFF;
	s21 =	sshll.u32 s7, $0x1;
	s4 =	sadd.s32 s5, s19  }
0x9d: {  	s8 =	simm.s32 $0x0;
	s20 =	sshll.u32 s6, $0x1;
	s6 =	sadd.s32 s21, s4  }
0x9e: {  	[timem:s8], [sflag:s22] =	dma.local [hbm:s6], s20  }
0x9f: {  	_ =	swait.ge [sflag:s22], s20  }
0xa0: {  	s5 =	ssub.s32 $0x0, s20;
	[sflag:s22] =	ssyncset.done $0x0  }
0xa1: {  	[sflag:s22] =	ssyncadd.s32 s5;
	_ =	sdelay $0x1  }
0xa2: {  	s23 =	simm.s32 $0x1B8B  }
0xa3: {  	_ =	swait.ge [sflag:s23], $0x1  }
0xa4: {  	[sflag:s23] =	ssyncset.done $0x0  }
0xa5: {  	s25 =	simm.s32 $0x1B8E;
	s24 =	sld [smem:$0x3FFE];
	[sflag:s23] =	ssyncadd.s32 $0xFFFFFFFF  }
0xa6: {  	s26 =	simm.s32 $execute0_lowered;
	[smem:$0x3FD2] =	sst s25  }
0xa7: {  	s6 =	sshll.u32 s26, $0x1;
	_ =	strace $0x80000046;
	[dreg:$0x1] =	wrdreg $0xFFFFFFFF  }
0xa8: {  	s28 =	simm.s32 $_size_execute0_lowered;
	s4 =	sadd.s32 s4, s6;
	[dreg:$0x0] =	wrdreg $0x0  }
0xa9: {  	s6 =	sshll.u32 s28, $0x1;
	[dreg:$0x2] =	wrdreg s4  }
0xaa: {  	[dreg:$0x3] =	wrdreg s6  }
0xab: {  	[dreg:$0x4] =	wrdreg $0xC0  }
0xac: {  	_ =	task [dreg:s8], $0x5FFFF  }
0xad: {  	[dreg:$0x1] =	wrdreg $0xFFFFFFFF  }
0xae: {  	[dreg:$0x0] =	wrdreg $0x60  }
0xaf: {  	[dreg:$0x2] =	wrdreg s2  }
0xb0: {  	[dreg:$0x3] =	wrdreg s24  }
0xb1: {  	[dreg:$0x4] =	wrdreg s18  }
0xb2: {  	[dreg:$0x5] =	wrdreg $0x9  }
0xb3: {  	_ =	task.clear_ibuf [dreg:s8], $0x6FFFF;
	_ =	strace $0x90000046  }
0xb4: {  	s29 =	simm.s32 $0x9;
	_ =	strace $0x80000048  }
0xb5: {  	_ =	swait.ge [sflag:s29], $0x1  }
0xb6: {  	[sflag:s29] =	ssyncadd.s32 $0xFFFFFFFF  }
0xb7: {  	_ =	strace $0x90000048  }
0xb8: {  	_ =	sfence  }
0xb9: {  	s30 =	sld [smem:$0x0];
	_ =	sdelay $0x2  }
0xba: {  	s31 =	sshll.u32 s1, $0xD;
	s1 =	sshrl.u32 s1, $0x2  }
0xbb: {  	s3 =	sand.u32 $0x4000, s31;
	s1 =	sadd.s32 s1, s30  }
0xbc: {  	s0 =	sor.u32 s3, s0;
	s1 =	sshll.u32 s1, $0x11  }
0xbd: {  	s0 =	sor.u32 s1, s0  }
0xbe: {  	s0 =	sadd.s32 $0x8F2B, s0  }
0xbf: {  	[sflag:s0] =	ssyncadd.remote.s32 $0x1  }
0xc0: {  	_ =	sfence.sel $0xFFFF  }
0xc1: {  	[dreg:$0x0] =	wrdreg $0xFFFFFFFF;
	(pc) =	sbr.abs _section_cstart, $3  }
0xc2: {  	[dreg:$0x1] =	wrdreg $0xFFFFFFFF  }
0xc3: {  	_ =	task.clear_ibuf [dreg:s8], $0x2FFFF;
	_ =	strace $0x9FFFFFFF  }
0xc4: {  	(tm) =	ssettm $0x7FFFFFFF  }
0xc5: {  	_ =	shalt  }
tec
execute0_lowered:
.L_overlay_start_1:
0x0: {  	(tag) =	ssettag $0x1  }
0x1: {  	s1 =	rddreg [dreg:$0x0]  }
0x2: {  	s0 =	rddreg [dreg:$0x1]  }
0x3: {  	s2 =	rddreg [dreg:$0x2]  }
0x4: {  	s3 =	srdreg.scid;
	s5 =	stileid.u32;
	s21 =	simm.s32 $0x2  }
0x5: {  	s22 =	simm.s32 $0x4;
	s28 =	simm.s32 $0x80;
	s29 =	simm.s32 $0x1880  }
0x6: {  	s30 =	simm.s32 $0x2080;
	s31 =	simm.s32 $0x2880;
	s9 =	simm.s32 $0x3080  }
0x7: {  	s11 =	simm.s32 $0x4080;
	s12 =	simm.s32 $0x4880;
	s13 =	simm.s32 $0x5080  }
0x8: {  	s14 =	simm.s32 $0x5880;
	s15 =	simm.s32 $0x6080;
	s16 =	simm.s32 $0x6880  }
0x9: {  	s17 =	simm.s32 $0x7080;
	s18 =	simm.s32 $0x7880;
	s19 =	simm.s32 $0x8880  }
0xa: {  	s20 =	simm.s32 $0x9080;
	s4 =	sand.u32 $0x1, s3;
	s3 =	simm.s32 $0x0  }
0xb: {  	s5 =	sshll.u32 s5, $0x8;
	s7 =	sadd.s32 $0x300, s1;
	s6 =	sshll.u32 s4, $0x7  }
0xc: {  	[smem:$0x7FF] =	sst s3;
	s4 =	ssub.s32 $0x2, s4;
	s5 =	sor.u32 s6, s5  }
0xd: {  	_ =	strace $0x80000047;
	s6 =	sshrl.u32 s5, $0x3;
	s5 =	sshll.u32 s5, $0x7  }
0xe: {  	s23 =	sshrl.u32 s4, $0x1;
	s0 =	sadd.s32 s6, s0;
	s2 =	sadd.s32 s2, s5  }
0xf: {  	s4 =	ssub.s32 s4, s23;
	s0 =	sadd.s32 $0x1400, s0;
	[dreg:$0x8] =	wrdreg s2  }
0x10: {  	s5 =	sadd.s32 $0x100, s1;
	s24 =	sadd.s32 $0x1000, s2;
	[dreg:$0x4] =	wrdreg s0  }
0x11: {  	s6 =	sadd.s32 $0x200, s1;
	s25 =	sadd.s32 $0x2000, s2;
	[dreg:$0x5] =	wrdreg s24  }
0x12: {  	v2 =	vlaneseq.u32;
	s8 =	smax.u32 s4, $0x1;
	s26 =	sadd.s32 $0x3000, s2;
	[dreg:$0x6] =	wrdreg s25  }
0x13: {  	vm0 =	vmmov $0xffff;
	v1 =	vshrl.u32 v2, $0x3;
	s4 =	simm.s32 $0x3;
	s2 =	simm.s32 $0x3880;
	[dreg:$0x7] =	wrdreg s26  }
0x14: {  	v0 =	vand.u32 $0x7, v2;
	v2 =	vor.u32 $0x8, v2;
	v1 =	vmul.u32 $0x8, v1;
	s24 =	simm.s32 $0x880;
	s25 =	simm.s32 $0x1080;
	s26 =	simm.s32 $0x8080  }
.LBB2_1:
0x15: {  	s23 =	rddreg [dreg:$0x4];
	s0 =	simm.s32 $0x5  }
0x16: {  	[tilespmem:s3], [sflag:$0x5] =	stream.linear.gather [hbm4b:s23+s3], $0x80, $0x38;
	[tilespmem:$0x10080] =	vst v63  }
0x17: {  	_ =	swait.ge [sflag:s0], $0x80  }
0x18: {  	[sflag:s0] =	ssyncset.done $0x0  }
0x19: {  	[sflag:s0] =	ssyncadd.s32 $0xFFFFFF80  }
0x1a: {  	v3 =	vld [tilespmem:$0x0];
	_ =	sdelay $0x4  }
0x1b: {  	v4 =	vshll.u32 v3, $0x3  }
0x1c: {  	v3 =	vand.u32 $0x7, v3;
	v4 =	vand.u32 $0xFFFFFFC0, v4  }
0x1d: {  	v3 =	vor.u32 v3, v4  }
0x1e: {  	v4 =	vperm.xlane v3, v0;
	_ =	sdelay $0x1  }
0x1f: {  	v4 =	vadd.s32 v1, v4;
	_ =	sdelay $0x4  }
0x20: {  	[tilespmem:s28], [sflag:$0x1] =	stream.indirect_vreg.gather [hbm4b:s1+s3], $0x80, v4, vm0, $0xb8;
	[tilespmem:$0x10080] =	vst v63  }
0x21: {  	v3 =	vperm.xlane v3, v2  }
0x22: {  	[tilespmem:s24], [sflag:$0x1] =	stream.indirect_vreg.gather [hbm4b:s5+s3], $0x80, v4, vm0, $0xb8;
	[tilespmem:$0x10080] =	vst v63  }
0x23: {  	v3 =	vadd.s32 v1, v3  }
0x24: {  	[tilespmem:s25], [sflag:$0x1] =	stream.indirect_vreg.gather [hbm4b:s6+s3], $0x80, v4, vm0, $0xb8;
	[tilespmem:$0x10080] =	vst v63  }
0x25: {  	_ = 	snop  }
0x26: {  	[tilespmem:s29], [sflag:$0x1] =	stream.indirect_vreg.gather [hbm4b:s7+s3], $0x80, v4, vm0, $0xb8;
	[tilespmem:$0x10080] =	vst v63  }
0x27: {  	_ = 	snop  }
0x28: {  	[tilespmem:s30], [sflag:$0x1] =	stream.indirect_vreg.gather [hbm4b:s1+s3], $0x80, v3, vm0, $0xb8;
	[tilespmem:$0x10080] =	vst v63  }
0x29: {  	_ = 	snop  }
0x2a: {  	[tilespmem:s31], [sflag:$0x1] =	stream.indirect_vreg.gather [hbm4b:s5+s3], $0x80, v3, vm0, $0xb8;
	[tilespmem:$0x10080] =	vst v63  }
0x2b: {  	_ = 	snop  }
0x2c: {  	[tilespmem:s9], [sflag:$0x1] =	stream.indirect_vreg.gather [hbm4b:s6+s3], $0x80, v3, vm0, $0xb8;
	[tilespmem:$0x10080] =	vst v63  }
0x2d: {  	_ = 	snop  }
0x2e: {  	[tilespmem:s2], [sflag:$0x1] =	stream.indirect_vreg.gather [hbm4b:s7+s3], $0x80, v3, vm0, $0xb8;
	[tilespmem:$0x10080] =	vst v63  }
0x2f: {  	v3 =	vld [tilespmem:$0x10];
	_ =	sdelay $0x4  }
0x30: {  	v57 =	vshll.u32 v3, $0x3  }
0x31: {  	v3 =	vand.u32 $0x7, v3;
	v4 =	vand.u32 $0xFFFFFFC0, v57  }
0x32: {  	v3 =	vor.u32 v3, v4  }
0x33: {  	v4 =	vperm.xlane v3, v0;
	_ =	sdelay $0x1  }
0x34: {  	v4 =	vadd.s32 v1, v4;
	_ =	sdelay $0x4  }
0x35: {  	[tilespmem:s11], [sflag:$0x1] =	stream.indirect_vreg.gather [hbm4b:s1+s3], $0x80, v4, vm0, $0xb8;
	[tilespmem:$0x10080] =	vst v63  }
0x36: {  	v3 =	vperm.xlane v3, v2  }
0x37: {  	[tilespmem:s12], [sflag:$0x1] =	stream.indirect_vreg.gather [hbm4b:s5+s3], $0x80, v4, vm0, $0xb8;
	[tilespmem:$0x10080] =	vst v63  }
0x38: {  	v3 =	vadd.s32 v1, v3  }
0x39: {  	[tilespmem:s13], [sflag:$0x1] =	stream.indirect_vreg.gather [hbm4b:s6+s3], $0x80, v4, vm0, $0xb8;
	[tilespmem:$0x10080] =	vst v63  }
0x3a: {  	_ = 	snop  }
0x3b: {  	[tilespmem:s14], [sflag:$0x1] =	stream.indirect_vreg.gather [hbm4b:s7+s3], $0x80, v4, vm0, $0xb8;
	[tilespmem:$0x10080] =	vst v63  }
0x3c: {  	_ = 	snop  }
0x3d: {  	[tilespmem:s15], [sflag:$0x1] =	stream.indirect_vreg.gather [hbm4b:s1+s3], $0x80, v3, vm0, $0xb8;
	[tilespmem:$0x10080] =	vst v63  }
0x3e: {  	_ = 	snop  }
0x3f: {  	[tilespmem:s16], [sflag:$0x1] =	stream.indirect_vreg.gather [hbm4b:s5+s3], $0x80, v3, vm0, $0xb8;
	[tilespmem:$0x10080] =	vst v63  }
0x40: {  	_ = 	snop  }
0x41: {  	[tilespmem:s17], [sflag:$0x1] =	stream.indirect_vreg.gather [hbm4b:s6+s3], $0x80, v3, vm0, $0xb8;
	[tilespmem:$0x10080] =	vst v63  }
0x42: {  	s0 =	simm.s32 $0x1  }
0x43: {  	[tilespmem:s18], [sflag:$0x1] =	stream.indirect_vreg.gather [hbm4b:s7+s3], $0x80, v3, vm0, $0xb8;
	[tilespmem:$0x10080] =	vst v63  }
0x44: {  	_ =	swait.ge [sflag:s0], $0x8000  }
0x45: {  	[sflag:s0] =	ssyncset.done $0x0  }
0x46: {  	[sflag:s0] =	ssyncadd.s32 $0xFFFF8000  }
0x47: {  	v3 =	vld [tilespmem:$0x20];
	_ =	sdelay $0x4  }
0x48: {  	v58 =	vshll.u32 v3, $0x3  }
0x49: {  	v3 =	vand.u32 $0x7, v3;
	v4 =	vand.u32 $0xFFFFFFC0, v58  }
0x4a: {  	v3 =	vor.u32 v3, v4  }
0x4b: {  	v4 =	vperm.xlane v3, v0;
	_ =	sdelay $0x1  }
0x4c: {  	v4 =	vadd.s32 v1, v4;
	_ =	sdelay $0x4  }
0x4d: {  	[tilespmem:s26], [sflag:$0x2] =	stream.indirect_vreg.gather [hbm4b:s1+s3], $0x80, v4, vm0, $0xb8;
	[tilespmem:$0x10080] =	vst v63  }
0x4e: {  	v3 =	vperm.xlane v3, v2  }
0x4f: {  	[tilespmem:s19], [sflag:$0x2] =	stream.indirect_vreg.gather [hbm4b:s5+s3], $0x80, v4, vm0, $0xb8;
	[tilespmem:$0x10080] =	vst v63  }
0x50: {  	v3 =	vadd.s32 v1, v3  }
0x51: {  	[tilespmem:s20], [sflag:$0x2] =	stream.indirect_vreg.gather [hbm4b:s6+s3], $0x80, v4, vm0, $0xb8;
	[tilespmem:$0x10080] =	vst v63  }
0x52: {  	s10 =	simm.s32 $0x9880  }
0x53: {  	[tilespmem:s10], [sflag:$0x2] =	stream.indirect_vreg.gather [hbm4b:s7+s3], $0x80, v4, vm0, $0xb8;
	[tilespmem:$0x10080] =	vst v63  }
0x54: {  	s10 =	simm.s32 $0xA080  }
0x55: {  	[tilespmem:s10], [sflag:$0x2] =	stream.indirect_vreg.gather [hbm4b:s1+s3], $0x80, v3, vm0, $0xb8;
	[tilespmem:$0x10080] =	vst v63  }
0x56: {  	s23 =	simm.s32 $0xA880  }
0x57: {  	[tilespmem:s23], [sflag:$0x2] =	stream.indirect_vreg.gather [hbm4b:s5+s3], $0x80, v3, vm0, $0xb8;
	[tilespmem:$0x10080] =	vst v63  }
0x58: {  	s23 =	simm.s32 $0xB080  }
0x59: {  	[tilespmem:s23], [sflag:$0x2] =	stream.indirect_vreg.gather [hbm4b:s6+s3], $0x80, v3, vm0, $0xb8;
	[tilespmem:$0x10080] =	vst v63  }
0x5a: {  	s23 =	simm.s32 $0xB880  }
0x5b: {  	[tilespmem:s23], [sflag:$0x2] =	stream.indirect_vreg.gather [hbm4b:s7+s3], $0x80, v3, vm0, $0xb8;
	[tilespmem:$0x10080] =	vst v63  }
0x5c: {  	v3 =	vld [tilespmem:$0x30];
	_ =	sdelay $0x4  }
0x5d: {  	v59 =	vshll.u32 v3, $0x3  }
0x5e: {  	v3 =	vand.u32 $0x7, v3;
	v4 =	vand.u32 $0xFFFFFFC0, v59  }
0x5f: {  	v3 =	vor.u32 v3, v4  }
0x60: {  	v4 =	vperm.xlane v3, v0;
	_ =	sdelay $0x1  }
0x61: {  	v4 =	vadd.s32 v1, v4;
	_ =	sdelay $0x3  }
0x62: {  	s23 =	simm.s32 $0xC080  }
0x63: {  	[tilespmem:s23], [sflag:$0x2] =	stream.indirect_vreg.gather [hbm4b:s1+s3], $0x80, v4, vm0, $0xb8;
	[tilespmem:$0x10080] =	vst v63  }
0x64: {  	v3 =	vperm.xlane v3, v2;
	s23 =	simm.s32 $0xC880  }
0x65: {  	[tilespmem:s23], [sflag:$0x2] =	stream.indirect_vreg.gather [hbm4b:s5+s3], $0x80, v4, vm0, $0xb8;
	[tilespmem:$0x10080] =	vst v63  }
0x66: {  	v3 =	vadd.s32 v1, v3;
	s23 =	simm.s32 $0xD080  }
0x67: {  	[tilespmem:s23], [sflag:$0x2] =	stream.indirect_vreg.gather [hbm4b:s6+s3], $0x80, v4, vm0, $0xb8;
	[tilespmem:$0x10080] =	vst v63  }
0x68: {  	s23 =	simm.s32 $0xD880  }
0x69: {  	[tilespmem:s23], [sflag:$0x2] =	stream.indirect_vreg.gather [hbm4b:s7+s3], $0x80, v4, vm0, $0xb8;
	[tilespmem:$0x10080] =	vst v63  }
0x6a: {  	s23 =	simm.s32 $0xE080  }
0x6b: {  	[tilespmem:s23], [sflag:$0x2] =	stream.indirect_vreg.gather [hbm4b:s1+s3], $0x80, v3, vm0, $0xb8;
	[tilespmem:$0x10080] =	vst v63  }
0x6c: {  	s23 =	simm.s32 $0xE880  }
0x6d: {  	[tilespmem:s23], [sflag:$0x2] =	stream.indirect_vreg.gather [hbm4b:s5+s3], $0x80, v3, vm0, $0xb8;
	[tilespmem:$0x10080] =	vst v63  }
0x6e: {  	s23 =	simm.s32 $0xF080  }
0x6f: {  	[tilespmem:s23], [sflag:$0x2] =	stream.indirect_vreg.gather [hbm4b:s6+s3], $0x80, v3, vm0, $0xb8;
	[tilespmem:$0x10080] =	vst v63  }
0x70: {  	s23 =	simm.s32 $0xF880  }
0x71: {  	[tilespmem:s23], [sflag:$0x2] =	stream.indirect_vreg.gather [hbm4b:s7+s3], $0x80, v3, vm0, $0xb8;
	[tilespmem:$0x10080] =	vst v63  }
0x72: {  	s23 =	rddreg [dreg:$0x8]  }
0x73: {  	[hbm4b:s23+s3] =	stream.linear.scatter [tilespmem:s28], [sflag:$0x3], $0x8000, $0x38;
	[tilespmem:$0x10080] =	vst v63  }
0x74: {  	_ =	swait.ge [sflag:s21], $0x8000  }
0x75: {  	[sflag:s21] =	ssyncset.done $0x0  }
0x76: {  	[sflag:s21] =	ssyncadd.s32 $0xFFFF8000  }
0x77: {  	_ =	swait.ge [sflag:s4], $0x8000  }
0x78: {  	[sflag:s4] =	ssyncset.done $0x0  }
0x79: {  	[sflag:s4] =	ssyncadd.s32 $0xFFFF8000  }
0x7a: {  	v3 =	vld [tilespmem:$0x40];
	_ =	sdelay $0x4  }
0x7b: {  	v60 =	vshll.u32 v3, $0x3  }
0x7c: {  	v3 =	vand.u32 $0x7, v3;
	v4 =	vand.u32 $0xFFFFFFC0, v60  }
0x7d: {  	v3 =	vor.u32 v3, v4  }
0x7e: {  	v4 =	vperm.xlane v3, v0;
	_ =	sdelay $0x1  }
0x7f: {  	v4 =	vadd.s32 v1, v4;
	_ =	sdelay $0x4  }
0x80: {  	[tilespmem:s28], [sflag:$0x1] =	stream.indirect_vreg.gather [hbm4b:s1+s3], $0x80, v4, vm0, $0xb8;
	[tilespmem:$0x10080] =	vst v63  }
0x81: {  	v3 =	vperm.xlane v3, v2  }
0x82: {  	[tilespmem:s24], [sflag:$0x1] =	stream.indirect_vreg.gather [hbm4b:s5+s3], $0x80, v4, vm0, $0xb8;
	[tilespmem:$0x10080] =	vst v63  }
0x83: {  	v3 =	vadd.s32 v1, v3  }
0x84: {  	[tilespmem:s25], [sflag:$0x1] =	stream.indirect_vreg.gather [hbm4b:s6+s3], $0x80, v4, vm0, $0xb8;
	[tilespmem:$0x10080] =	vst v63  }
0x85: {  	_ = 	snop  }
0x86: {  	[tilespmem:s29], [sflag:$0x1] =	stream.indirect_vreg.gather [hbm4b:s7+s3], $0x80, v4, vm0, $0xb8;
	[tilespmem:$0x10080] =	vst v63  }
0x87: {  	_ = 	snop  }
0x88: {  	[tilespmem:s30], [sflag:$0x1] =	stream.indirect_vreg.gather [hbm4b:s1+s3], $0x80, v3, vm0, $0xb8;
	[tilespmem:$0x10080] =	vst v63  }
0x89: {  	_ = 	snop  }
0x8a: {  	[tilespmem:s31], [sflag:$0x1] =	stream.indirect_vreg.gather [hbm4b:s5+s3], $0x80, v3, vm0, $0xb8;
	[tilespmem:$0x10080] =	vst v63  }
0x8b: {  	_ = 	snop  }
0x8c: {  	[tilespmem:s9], [sflag:$0x1] =	stream.indirect_vreg.gather [hbm4b:s6+s3], $0x80, v3, vm0, $0xb8;
	[tilespmem:$0x10080] =	vst v63  }
0x8d: {  	_ = 	snop  }
0x8e: {  	[tilespmem:s2], [sflag:$0x1] =	stream.indirect_vreg.gather [hbm4b:s7+s3], $0x80, v3, vm0, $0xb8;
	[tilespmem:$0x10080] =	vst v63  }
0x8f: {  	v3 =	vld [tilespmem:$0x50];
	_ =	sdelay $0x4  }
0x90: {  	v61 =	vshll.u32 v3, $0x3  }
0x91: {  	v3 =	vand.u32 $0x7, v3;
	v4 =	vand.u32 $0xFFFFFFC0, v61  }
0x92: {  	v3 =	vor.u32 v3, v4  }
0x93: {  	v4 =	vperm.xlane v3, v0;
	_ =	sdelay $0x1  }
0x94: {  	v4 =	vadd.s32 v1, v4;
	_ =	sdelay $0x4  }
0x95: {  	[tilespmem:s11], [sflag:$0x1] =	stream.indirect_vreg.gather [hbm4b:s1+s3], $0x80, v4, vm0, $0xb8;
	[tilespmem:$0x10080] =	vst v63  }
0x96: {  	v3 =	vperm.xlane v3, v2  }
0x97: {  	[tilespmem:s12], [sflag:$0x1] =	stream.indirect_vreg.gather [hbm4b:s5+s3], $0x80, v4, vm0, $0xb8;
	[tilespmem:$0x10080] =	vst v63  }
0x98: {  	v3 =	vadd.s32 v1, v3  }
0x99: {  	[tilespmem:s13], [sflag:$0x1] =	stream.indirect_vreg.gather [hbm4b:s6+s3], $0x80, v4, vm0, $0xb8;
	[tilespmem:$0x10080] =	vst v63  }
0x9a: {  	_ = 	snop  }
0x9b: {  	[tilespmem:s14], [sflag:$0x1] =	stream.indirect_vreg.gather [hbm4b:s7+s3], $0x80, v4, vm0, $0xb8;
	[tilespmem:$0x10080] =	vst v63  }
0x9c: {  	_ = 	snop  }
0x9d: {  	[tilespmem:s15], [sflag:$0x1] =	stream.indirect_vreg.gather [hbm4b:s1+s3], $0x80, v3, vm0, $0xb8;
	[tilespmem:$0x10080] =	vst v63  }
0x9e: {  	_ = 	snop  }
0x9f: {  	[tilespmem:s16], [sflag:$0x1] =	stream.indirect_vreg.gather [hbm4b:s5+s3], $0x80, v3, vm0, $0xb8;
	[tilespmem:$0x10080] =	vst v63  }
0xa0: {  	_ = 	snop  }
0xa1: {  	[tilespmem:s17], [sflag:$0x1] =	stream.indirect_vreg.gather [hbm4b:s6+s3], $0x80, v3, vm0, $0xb8;
	[tilespmem:$0x10080] =	vst v63  }
0xa2: {  	_ = 	snop  }
0xa3: {  	[tilespmem:s18], [sflag:$0x1] =	stream.indirect_vreg.gather [hbm4b:s7+s3], $0x80, v3, vm0, $0xb8;
	[tilespmem:$0x10080] =	vst v63  }
0xa4: {  	s23 =	rddreg [dreg:$0x5]  }
0xa5: {  	[hbm4b:s23+s3] =	stream.linear.scatter [tilespmem:s26], [sflag:$0x4], $0x8000, $0x38;
	[tilespmem:$0x10080] =	vst v63  }
0xa6: {  	_ =	swait.ge [sflag:s0], $0x8000  }
0xa7: {  	[sflag:s0] =	ssyncset.done $0x0  }
0xa8: {  	[sflag:s0] =	ssyncadd.s32 $0xFFFF8000  }
0xa9: {  	_ =	swait.ge [sflag:s22], $0x8000  }
0xaa: {  	[sflag:s22] =	ssyncset.done $0x0  }
0xab: {  	[sflag:s22] =	ssyncadd.s32 $0xFFFF8000  }
0xac: {  	v3 =	vld [tilespmem:$0x60];
	_ =	sdelay $0x4  }
0xad: {  	v62 =	vshll.u32 v3, $0x3  }
0xae: {  	v3 =	vand.u32 $0x7, v3;
	v4 =	vand.u32 $0xFFFFFFC0, v62  }
0xaf: {  	v3 =	vor.u32 v3, v4  }
0xb0: {  	v4 =	vperm.xlane v3, v0;
	_ =	sdelay $0x1  }
0xb1: {  	v4 =	vadd.s32 v1, v4;
	_ =	sdelay $0x4  }
0xb2: {  	[tilespmem:s26], [sflag:$0x2] =	stream.indirect_vreg.gather [hbm4b:s1+s3], $0x80, v4, vm0, $0xb8;
	[tilespmem:$0x10080] =	vst v63  }
0xb3: {  	v3 =	vperm.xlane v3, v2  }
0xb4: {  	[tilespmem:s19], [sflag:$0x2] =	stream.indirect_vreg.gather [hbm4b:s5+s3], $0x80, v4, vm0, $0xb8;
	[tilespmem:$0x10080] =	vst v63  }
0xb5: {  	v3 =	vadd.s32 v1, v3  }
0xb6: {  	[tilespmem:s20], [sflag:$0x2] =	stream.indirect_vreg.gather [hbm4b:s6+s3], $0x80, v4, vm0, $0xb8;
	[tilespmem:$0x10080] =	vst v63  }
0xb7: {  	s23 =	simm.s32 $0x9880  }
0xb8: {  	[tilespmem:s23], [sflag:$0x2] =	stream.indirect_vreg.gather [hbm4b:s7+s3], $0x80, v4, vm0, $0xb8;
	[tilespmem:$0x10080] =	vst v63  }
0xb9: {  	_ = 	snop  }
0xba: {  	[tilespmem:s10], [sflag:$0x2] =	stream.indirect_vreg.gather [hbm4b:s1+s3], $0x80, v3, vm0, $0xb8;
	[tilespmem:$0x10080] =	vst v63  }
0xbb: {  	s10 =	simm.s32 $0xA880  }
0xbc: {  	[tilespmem:s10], [sflag:$0x2] =	stream.indirect_vreg.gather [hbm4b:s5+s3], $0x80, v3, vm0, $0xb8;
	[tilespmem:$0x10080] =	vst v63  }
0xbd: {  	s23 =	simm.s32 $0xB080  }
0xbe: {  	[tilespmem:s23], [sflag:$0x2] =	stream.indirect_vreg.gather [hbm4b:s6+s3], $0x80, v3, vm0, $0xb8;
	[tilespmem:$0x10080] =	vst v63  }
0xbf: {  	s10 =	simm.s32 $0xB880  }
0xc0: {  	[tilespmem:s10], [sflag:$0x2] =	stream.indirect_vreg.gather [hbm4b:s7+s3], $0x80, v3, vm0, $0xb8;
	[tilespmem:$0x10080] =	vst v63  }
0xc1: {  	v3 =	vld [tilespmem:$0x70];
	_ =	sdelay $0x4  }
0xc2: {  	v63 =	vshll.u32 v3, $0x3  }
0xc3: {  	v3 =	vand.u32 $0x7, v3;
	v4 =	vand.u32 $0xFFFFFFC0, v63  }
0xc4: {  	v3 =	vor.u32 v3, v4  }
0xc5: {  	v4 =	vperm.xlane v3, v0;
	_ =	sdelay $0x1  }
0xc6: {  	v4 =	vadd.s32 v1, v4;
	_ =	sdelay $0x3  }
0xc7: {  	s23 =	simm.s32 $0xC080  }
0xc8: {  	[tilespmem:s23], [sflag:$0x2] =	stream.indirect_vreg.gather [hbm4b:s1+s3], $0x80, v4, vm0, $0xb8;
	[tilespmem:$0x10080] =	vst v63  }
0xc9: {  	s10 =	simm.s32 $0xC880;
	v3 =	vperm.xlane v3, v2  }
0xca: {  	[tilespmem:s10], [sflag:$0x2] =	stream.indirect_vreg.gather [hbm4b:s5+s3], $0x80, v4, vm0, $0xb8;
	[tilespmem:$0x10080] =	vst v63  }
0xcb: {  	v3 =	vadd.s32 v1, v3;
	s23 =	simm.s32 $0xD080  }
0xcc: {  	[tilespmem:s23], [sflag:$0x2] =	stream.indirect_vreg.gather [hbm4b:s6+s3], $0x80, v4, vm0, $0xb8;
	[tilespmem:$0x10080] =	vst v63  }
0xcd: {  	s10 =	simm.s32 $0xD880  }
0xce: {  	[tilespmem:s10], [sflag:$0x2] =	stream.indirect_vreg.gather [hbm4b:s7+s3], $0x80, v4, vm0, $0xb8;
	[tilespmem:$0x10080] =	vst v63  }
0xcf: {  	s23 =	simm.s32 $0xE080  }
0xd0: {  	[tilespmem:s23], [sflag:$0x2] =	stream.indirect_vreg.gather [hbm4b:s1+s3], $0x80, v3, vm0, $0xb8;
	[tilespmem:$0x10080] =	vst v63  }
0xd1: {  	s10 =	simm.s32 $0xE880  }
0xd2: {  	[tilespmem:s10], [sflag:$0x2] =	stream.indirect_vreg.gather [hbm4b:s5+s3], $0x80, v3, vm0, $0xb8;
	[tilespmem:$0x10080] =	vst v63  }
0xd3: {  	s23 =	simm.s32 $0xF080  }
0xd4: {  	[tilespmem:s23], [sflag:$0x2] =	stream.indirect_vreg.gather [hbm4b:s6+s3], $0x80, v3, vm0, $0xb8;
	[tilespmem:$0x10080] =	vst v63  }
0xd5: {  	s10 =	simm.s32 $0xF880  }
0xd6: {  	[tilespmem:s10], [sflag:$0x2] =	stream.indirect_vreg.gather [hbm4b:s7+s3], $0x80, v3, vm0, $0xb8;
	[tilespmem:$0x10080] =	vst v63  }
0xd7: {  	s23 =	rddreg [dreg:$0x6]  }
0xd8: {  	[hbm4b:s23+s3] =	stream.linear.scatter [tilespmem:s28], [sflag:$0x3], $0x8000, $0x38;
	[tilespmem:$0x10080] =	vst v63  }
0xd9: {  	_ =	swait.ge [sflag:s21], $0x8000  }
0xda: {  	[sflag:s21] =	ssyncset.done $0x0  }
0xdb: {  	s10 =	rddreg [dreg:$0x7];
	[sflag:s21] =	ssyncadd.s32 $0xFFFF8000  }
0xdc: {  	[hbm4b:s10+s3] =	stream.linear.scatter [tilespmem:s26], [sflag:$0x4], $0x8000, $0x38;
	[tilespmem:$0x10080] =	vst v63  }
0xdd: {  	p0 =	sne.s32 s8, $0x1;
	_ =	swait.ge [sflag:s4], $0x8000  }
.Ltmp0:
0xde: {  	[sflag:s4] =	ssyncset.done $0x0;
	(pc) =	sbr.rel @p0 .LBB2_1-.Ltmp0, $4  }
0xdf: {  	[sflag:s4] =	ssyncadd.s32 $0xFFFF8000  }
0xe0: {  	_ =	swait.ge [sflag:s22], $0x8000  }
0xe1: {  	[sflag:s22] =	ssyncset.done $0x0  }
0xe2: {  	s8 =	sadd.s32 $0xFFFFFFFF, s8;
	[sflag:s22] =	ssyncadd.s32 $0xFFFF8000  }
0xe3: {  	_ =	sfence.sel $0x180000  }
0xe4: {  	[bflag:$0x0] =	sbarrier.arrive $0xFFFF  }
0xe5: {  	_ =	strace $0x90000047  }
0xe6: {  	s0 =	stileid.u32;
	[bflag:$0x2] =	sbarrier.arrive $0xFFFF  }
0xe7: {  	p0 =	sne.s32 s0, $0x0;
	s0 =	rddreg [dreg:$0x3]  }
0xe8: {  	s0 =	sadd.s32 @!p0 $0x100000, s0  }
0xe9: {  	[sflag:s0] =	ssyncadd.tile.s32 @!p0 $0x1;
	_ =	shalt  }
.Lfunc_end2:
_tile_overlayer_lowered:
.L_overlay_start_2:
0xea: {  	(tag) =	ssettag $0x2  }
0xeb: {  	s0 =	rddreg [dreg:$0x0];
	s2 =	stileid.u32  }
0xec: {  	s1 =	rddreg [dreg:$0x1];
	p0 =	sne.s32 s2, $0x0  }
0xed: {  	s3 =	rddreg [dreg:$0x2];
	[bflag:$0x3] =	sbarrier.arrive $0xFFFF;
	s2 =	simm.s32 @!p0 $0x1C05  }
0xee: {  	[timem:s3], [sflag:s2] =	dma.local @!p0 [hbm:s0], s1  }
0xef: {  	s0 =	simm.s32 @!p0 $0x5  }
0xf0: {  	_ =	swait.ge @!p0 [sflag:s0], s1  }
0xf1: {  	s1 =	ssub.s32 @!p0 $0x0, s1;
	[sflag:s0] =	ssyncset.done @!p0 $0x0  }
0xf2: {  	[sflag:s0] =	ssyncadd.s32 @!p0 s1  }
0xf3: {  	[bflag:$0x3] =	sbarrier.arrive $0xFFFF  }
0xf4: {  	_ =	shalt  }

// kernel: kernel.9.cloned.1.call-start
scs
__scs_entry_jumppad:
0x0: {  	(pc) =	sbr.rel $0x88, $3  }
0x1: {  	(tag) =	ssettag $0x0;
	lr =	simm.s32 $0x1  }
0x2: {  	[smem:$0x3F9D] =	sst lr;
	_ =	strace $0xD0000000  }
0x3: {  	_ = 	snop  }
0x4: {  	_ = 	snop  }
0x5: {  	_ = 	snop  }
0x6: {  	_ = 	snop  }
0x7: {  	_ = 	snop  }
__scs_overlays_trampoline_lowered:
0x8: {  	[smem:$0x3FAC] =	sst s0  }
0x9: {  	[smem:$0x3FAD] =	sst s1  }
0xa: {  	[smem:$0x3FAE] =	sst s2  }
0xb: {  	[smem:$0x3FAF] =	sst s3  }
0xc: {  	[smem:$0x3FB0] =	sst s4  }
0xd: {  	[smem:$0x3FB1] =	sst s5  }
0xe: {  	[smem:$0x3FB2] =	sst s6  }
0xf: {  	[smem:$0x3FB3] =	sst s7  }
0x10: {  	[smem:$0x3FB4] =	sst s8  }
0x11: {  	[smem:$0x3FB5] =	sst s9;
	s0 =	simm.s32 @!p0 $0x0  }
0x12: {  	s1 =	sld [smem:$0x3F9B];
	s0 =	simm.s32 @p0 $0x1  }
0x13: {  	[smem:$0x3FB6] =	sst s0;
	s0 =	simm.s32 @!p1 $0x0  }
0x14: {  	s2 =	sld [smem:$0x3F9A];
	s0 =	simm.s32 @p1 $0x1  }
0x15: {  	[smem:$0x3FB7] =	sst s0;
	s0 =	simm.s32 @!p2 $0x0  }
0x16: {  	s3 =	sld [smem:$0x3FDB];
	s0 =	simm.s32 @p2 $0x1  }
0x17: {  	s4 =	simm.s32 $0x1BF5;
	[smem:$0x3FB9] =	sst s0  }
0x18: {  	s0 =	sld [smem:$0x3F9C];
	_ =	swait.ge [sflag:s4], $0x0  }
0x19: {  	s7 =	sld [smem:$0x3F9D]  }
0x1a: {  	s8 =	sadd.s32 $0xFFFFE003, lr  }
0x1b: {  	s9 =	sadd.s32 $0xFFFFFEF7, lr;
	s5 =	simm.s32 $0xFFFFFFFF;
	p2 =	slt.u32 s8, $0xFFFFF086  }
0x1c: {  	p1 =	slt.u32 s9, $0xF7A;
	s5 =	simm.s32 @!p2 $0x0  }
0x1d: {  	s5 =	simm.s32 @p1 $0x1;
	p0 =	seq.s32 s7, s2  }
0x1e: {  	s7 =	smul.u32 @!p0 $0xF7A, s2;
	p2 =	seq.s32 @!p0 s5, $0x0  }
0x1f: {  	s9 =	smul.u32 $0xF7A, s1;
	s8 =	simm.s32 @!p0 $0x1BF5;
	p2 =	por !p2, p0  }
0x20: {  	[sflag:s8] =	ssyncset.s32 @!p0 $0xFFFFF086;
	s6 =	sadd.s32 @!p0 s3, s7;
	s7 =	simm.s32 @!p0 $0x108  }
0x21: {  	s3 =	sadd.s32 s3, s9;
	s6 =	sadd.s32 @!p0 $0x88, s6;
	s7 =	simm.s32 @p2 $0x1082  }
0x22: {  	[simem:s7], [sflag:s8] =	dma.local @!p0 [hbm:s6], $0xF7A  }
0x23: {  	s9 =	sor.u32 $0xD0000000, s2;
	s6 =	simm.s32 $0x108;
	_ =	swait.ge @!p0 [sflag:s8], $0x0  }
0x24: {  	s3 =	sadd.s32 $0x88, s3;
	s6 =	simm.s32 @!p1 $0x1082;
	[sflag:s4] =	ssyncset.s32 $0xFFFFF086  }
0x25: {  	[simem:s6], [sflag:s4] =	dma.local [hbm:s3], $0xF7A  }
0x26: {  	[smem:$0x3F9D] =	sst s1;
	(tag) =	ssettag s2;
	_ =	strace s9  }
0x27: {  	s1 =	sld [smem:$0x3FAD]  }
0x28: {  	s2 =	sld [smem:$0x3FAE]  }
0x29: {  	s4 =	sld [smem:$0x3FB0]  }
0x2a: {  	p0 =	seq.s32 s5, $0x0;
	s5 =	sld [smem:$0x3FB1]  }
0x2b: {  	s6 =	sld [smem:$0x3FB2]  }
0x2c: {  	s7 =	sld [smem:$0x3FB3]  }
0x2d: {  	s3 =	simm.s32 $0x108;
	s8 =	sld [smem:$0x3FB4]  }
0x2e: {  	s3 =	simm.s32 @!p0 $0x1082;
	s9 =	sld [smem:$0x3FB5]  }
0x2f: {  	lr =	sadd.s32 s0, s3;
	s0 =	sld [smem:$0x3FAC]  }
0x30: {  	s3 =	sld [smem:$0x3FAF]  }
0x31: {  	[smem:$0x3FB8] =	sst s10  }
0x32: {  	s10 =	sld [smem:$0x3FB6];
	_ =	sdelay $0x3  }
0x33: {  	p0 =	seq.s32 s10, $0x1;
	s10 =	sld [smem:$0x3FB8];
	_ =	sdelay $0x3  }
0x34: {  	[smem:$0x3FB8] =	sst s10  }
0x35: {  	s10 =	sld [smem:$0x3FB7];
	_ =	sdelay $0x3  }
0x36: {  	p1 =	seq.s32 s10, $0x1;
	s10 =	sld [smem:$0x3FB8];
	_ =	sdelay $0x3  }
0x37: {  	[smem:$0x3FB8] =	sst s10  }
0x38: {  	s10 =	sld [smem:$0x3FB9]  }
0x39: {  	_ = 	snop;
	(pc) =	sbr.ind lr, $3  }
0x3a: {  	_ = 	snop  }
0x3b: {  	_ = 	snop  }
0x3c: {  	p2 =	seq.s32 s10, $0x1;
	s10 =	sld [smem:$0x3FB8]  }
0x3d: {  	_ =	shalt  }
0x3e: {  	_ =	shalt  }
0x3f: {  	_ =	shalt  }
0x40: {  	_ =	shalt  }
0x41: {  	_ =	shalt  }
0x42: {  	_ =	shalt  }
0x43: {  	_ =	shalt  }
0x44: {  	_ =	shalt  }
0x45: {  	_ =	shalt  }
0x46: {  	_ =	shalt  }
0x47: {  	_ =	shalt  }
0x48: {  	_ =	shalt  }
0x49: {  	_ =	shalt  }
0x4a: {  	_ =	shalt  }
0x4b: {  	_ =	shalt  }
0x4c: {  	_ =	shalt  }
0x4d: {  	_ =	shalt  }
0x4e: {  	_ =	shalt  }
0x4f: {  	_ =	shalt  }
0x50: {  	_ =	shalt  }
0x51: {  	_ =	shalt  }
0x52: {  	_ =	shalt  }
0x53: {  	_ =	shalt  }
0x54: {  	_ =	shalt  }
0x55: {  	_ =	shalt  }
0x56: {  	_ =	shalt  }
0x57: {  	_ =	shalt  }
0x58: {  	_ =	shalt  }
0x59: {  	_ =	shalt  }
0x5a: {  	_ =	shalt  }
0x5b: {  	_ =	shalt  }
0x5c: {  	_ =	shalt  }
0x5d: {  	_ =	shalt  }
0x5e: {  	_ =	shalt  }
0x5f: {  	_ =	shalt  }
0x60: {  	_ =	shalt  }
0x61: {  	_ =	shalt  }
0x62: {  	_ =	shalt  }
0x63: {  	_ =	shalt  }
0x64: {  	_ =	shalt  }
0x65: {  	_ =	shalt  }
0x66: {  	_ =	shalt  }
0x67: {  	_ =	shalt  }
0x68: {  	_ =	shalt  }
0x69: {  	_ =	shalt  }
0x6a: {  	_ =	shalt  }
0x6b: {  	_ =	shalt  }
0x6c: {  	_ =	shalt  }
0x6d: {  	_ =	shalt  }
0x6e: {  	_ =	shalt  }
0x6f: {  	_ =	shalt  }
0x70: {  	_ =	shalt  }
0x71: {  	_ =	shalt  }
0x72: {  	_ =	shalt  }
0x73: {  	_ =	shalt  }
0x74: {  	_ =	shalt  }
0x75: {  	_ =	shalt  }
0x76: {  	_ =	shalt  }
0x77: {  	_ =	shalt  }
0x78: {  	_ =	shalt  }
0x79: {  	_ =	shalt  }
0x7a: {  	_ =	shalt  }
0x7b: {  	_ =	shalt  }
0x7c: {  	_ =	shalt  }
0x7d: {  	_ =	shalt  }
0x7e: {  	_ =	shalt  }
0x7f: {  	_ =	shalt  }
0x80: {  	_ =	shalt  }
0x81: {  	_ =	shalt  }
0x82: {  	_ =	shalt  }
0x83: {  	_ =	shalt  }
0x84: {  	_ =	shalt  }
0x85: {  	_ =	shalt  }
0x86: {  	_ =	shalt  }
0x87: {  	_ =	shalt  }
.Lfunc_end0:
.L_simem_size_0:
called_computation.1_lowered:
.L_overlay_start_0:
0x88: {  	s2 =	sld [smem:$0x3FD9]  }
0x89: {  	s3 =	sld [smem:$0x3FFE];
	_ =	sdelay $0x1  }
0x8a: {  	s1 =	srdreg.scid  }
0x8b: {  	s0 =	sand.u32 $0x1, s1  }
0x8c: {  	s17 =	sshll.u32 s0, $0xA;
	s2 =	sadd.s32 s3, s2  }
0x8d: {  	s2 =	sadd.s32 s2, s17  }
0x8e: {  	[smem:$0x3FC4] =	sst s2  }
0x8f: {  	_ = 	snop  }
0x90: {  	s18 =	sld [smem:$0x3FC8];
	(tm) =	ssettm $0x1  }
0x91: {  	s19 =	sld [smem:$0x3FFB];
	_ =	sdelay $0x3  }
0x92: {  	_ =	strace s19  }
0x93: {  	s2 =	sld [smem:$0x3FFC];
	_ =	sdelay $0x3  }
0x94: {  	_ =	strace s2  }
0x95: {  	s2 =	sld [smem:$0x3FFD];
	_ =	sdelay $0x3  }
0x96: {  	_ =	strace s2  }
0x97: {  	_ =	strace $0x8FFFFFFF  }
0x98: {  	s20 =	sld [smem:$0x3FDB];
	_ =	sdelay $0x1  }
0x99: {  	s4 =	simm.s32 $_scs_section_size  }
0x9a: {  	s5 =	simm.s32 $_size__tile_overlayer_lowered;
	s6 =	simm.s32 $_tile_overlayer_lowered  }
0x9b: {  	s7 =	simm.s32 $0x1BFF;
	s21 =	sshll.u32 s6, $0x1;
	s4 =	sadd.s32 s4, s20  }
0x9c: {  	s22 =	simm.s32 $0x0;
	s5 =	sshll.u32 s5, $0x1;
	s6 =	sadd.s32 s21, s4  }
0x9d: {  	[timem:s22], [sflag:s7] =	dma.local [hbm:s6], s5  }
0x9e: {  	_ =	swait.ge [sflag:s7], s5  }
0x9f: {  	s5 =	ssub.s32 $0x0, s5;
	[sflag:s7] =	ssyncset.done $0x0  }
0xa0: {  	[sflag:s7] =	ssyncadd.s32 s5;
	_ =	sdelay $0x1  }
0xa1: {  	s23 =	simm.s32 $0x1B8B  }
0xa2: {  	_ =	swait.ge [sflag:s23], $0x1  }
0xa3: {  	[sflag:s23] =	ssyncset.done $0x0  }
0xa4: {  	[sflag:s23] =	ssyncadd.s32 $0xFFFFFFFF  }
0xa5: {  	s5 =	sld [smem:$0x0]  }
0xa6: {  	s6 =	sand.u32 $0xFFFFFFFE, s1  }
0xa7: {  	p0 =	sne.s32 s1, s6  }
0xa8: {  	s6 =	sshll.u32 @p0 s6, $0xE  }
0xa9: {  	s6 =	sadd.s32 @p0 $0x11B8D, s6;
	s7 =	sshll.u32 @p0 s5, $0x11  }
0xaa: {  	s6 =	sor.u32 @p0 s7, s6  }
0xab: {  	[sflag:s6] =	ssyncadd.remote.s32 @p0 $0x1;
	_ =	sdelay $0x1  }
0xac: {  	s6 =	simm.s32 @p0 $0x1B8D  }
0xad: {  	_ =	swait.eq @p0 [sflag:s6], $0x1  }
0xae: {  	[sflag:s6] =	ssyncadd.s32 @p0 $0xFFFFFFFF  }
0xaf: {  	s7 =	sshll.u32 @!p0 s1, $0xE  }
0xb0: {  	s7 =	sor.u32 @!p0 $0x4000, s7;
	s6 =	simm.s32 @!p0 $0x1B8D  }
0xb1: {  	s5 =	sshll.u32 @!p0 s5, $0x11;
	s7 =	sadd.s32 @!p0 $0x11B8D, s7;
	_ =	swait.eq @!p0 [sflag:s6], $0x1  }
0xb2: {  	s5 =	sor.u32 @!p0 s5, s7;
	[sflag:s6] =	ssyncadd.s32 @!p0 $0xFFFFFFFF  }
0xb3: {  	s25 =	simm.s32 $0x1B8E;
	s24 =	sld [smem:$0x3FFE];
	[sflag:s5] =	ssyncadd.remote.s32 @!p0 $0x1  }
0xb4: {  	s26 =	simm.s32 $execute0_lowered;
	[smem:$0x3FD2] =	sst s25  }
0xb5: {  	s6 =	sshll.u32 s26, $0x1;
	_ =	strace $0x80000049;
	[dreg:$0x1] =	wrdreg $0xFFFFFFFF  }
0xb6: {  	s28 =	simm.s32 $_size_execute0_lowered;
	s4 =	sadd.s32 s4, s6;
	[dreg:$0x0] =	wrdreg $0x0  }
0xb7: {  	s6 =	sshll.u32 s28, $0x1;
	[dreg:$0x2] =	wrdreg s4  }
0xb8: {  	[dreg:$0x3] =	wrdreg s6  }
0xb9: {  	[dreg:$0x4] =	wrdreg $0xC0  }
0xba: {  	_ =	task [dreg:s22], $0x5FFFF  }
0xbb: {  	[dreg:$0x1] =	wrdreg $0xFFFFFFFF  }
0xbc: {  	[dreg:$0x0] =	wrdreg $0x60  }
0xbd: {  	[dreg:$0x2] =	wrdreg s18  }
0xbe: {  	[dreg:$0x3] =	wrdreg s24  }
0xbf: {  	[dreg:$0x4] =	wrdreg $0xA  }
0xc0: {  	_ =	task.clear_ibuf [dreg:s22], $0x5FFFF;
	_ =	strace $0x90000049  }
0xc1: {  	s29 =	simm.s32 $0xA;
	_ =	strace $0x8000004B  }
0xc2: {  	_ =	swait.ge [sflag:s29], $0x1  }
0xc3: {  	[sflag:s29] =	ssyncadd.s32 $0xFFFFFFFF  }
0xc4: {  	_ =	strace $0x9000004B  }
0xc5: {  	_ =	sfence  }
0xc6: {  	s30 =	sld [smem:$0x0];
	_ =	sdelay $0x2  }
0xc7: {  	s31 =	sshll.u32 s1, $0xD;
	s1 =	sshrl.u32 s1, $0x2  }
0xc8: {  	s4 =	sand.u32 $0x4000, s31;
	s1 =	sadd.s32 s1, s30  }
0xc9: {  	s0 =	sor.u32 s4, s0;
	s1 =	sshll.u32 s1, $0x11  }
0xca: {  	s0 =	sor.u32 s1, s0  }
0xcb: {  	s0 =	sadd.s32 $0x8F2B, s0  }
0xcc: {  	[sflag:s0] =	ssyncadd.remote.s32 $0x1  }
0xcd: {  	_ =	sfence.sel $0xFFFF  }
0xce: {  	[dreg:$0x0] =	wrdreg $0xFFFFFFFF;
	(pc) =	sbr.abs _section_cstart, $3  }
0xcf: {  	[dreg:$0x1] =	wrdreg $0xFFFFFFFF  }
0xd0: {  	_ =	task.clear_ibuf [dreg:s22], $0x2FFFF;
	_ =	strace $0x9FFFFFFF  }
0xd1: {  	(tm) =	ssettm $0x7FFFFFFF  }
tec
execute0_lowered:
.L_overlay_start_1:
0x0: {  	(tag) =	ssettag $0x1  }
0x1: {  	s2 =	rddreg [dreg:$0x0]  }
0x2: {  	s0 =	rddreg [dreg:$0x1];
	s1 =	srdreg.scid  }
0x3: {  	s4 =	stileid.u32;
	s3 =	simm.s32 $0x0;
	s19 =	simm.s32 $0x2  }
0x4: {  	s20 =	simm.s32 $0x3;
	s21 =	simm.s32 $0x4;
	s23 =	simm.s32 $0x880  }
0x5: {  	s24 =	simm.s32 $0x1080;
	s28 =	simm.s32 $0x1880;
	s29 =	simm.s32 $0x2080  }
0x6: {  	s30 =	simm.s32 $0x2880;
	s31 =	simm.s32 $0x3080;
	s8 =	simm.s32 $0x3880  }
0x7: {  	s10 =	simm.s32 $0x4880;
	s11 =	simm.s32 $0x5080;
	s12 =	simm.s32 $0x5880  }
0x8: {  	s13 =	simm.s32 $0x6080;
	s14 =	simm.s32 $0x6880;
	s1 =	sand.u32 $0x1, s1  }
0x9: {  	s15 =	simm.s32 $0x7080;
	s4 =	sshll.u32 s4, $0x8;
	s5 =	sshll.u32 s1, $0x7  }
0xa: {  	s16 =	simm.s32 $0x7880;
	s17 =	simm.s32 $0x8880;
	s4 =	sor.u32 s5, s4  }
0xb: {  	s18 =	simm.s32 $0x9080;
	[smem:$0x7FF] =	sst s3;
	s5 =	sshrl.u32 s4, $0x3  }
0xc: {  	_ =	strace $0x8000004A;
	s4 =	sshll.u32 s4, $0x7;
	s5 =	sadd.s32 s5, s0  }
0xd: {  	s1 =	ssub.s32 $0x2, s1;
	s0 =	sadd.s32 s4, s0;
	s5 =	sadd.s32 $0x1600, s5  }
0xe: {  	s25 =	sshrl.u32 s1, $0x1;
	s26 =	sadd.s32 $0x1800, s0;
	[dreg:$0x3] =	wrdreg s5  }
0xf: {  	s1 =	ssub.s32 s1, s25;
	s6 =	sadd.s32 $0x2800, s0;
	[dreg:$0x4] =	wrdreg s26  }
0x10: {  	s25 =	simm.s32 $0x8080;
	s7 =	sadd.s32 $0x3800, s0;
	[dreg:$0x5] =	wrdreg s6  }
0x11: {  	v2 =	vlaneseq.u32;
	s4 =	sadd.s32 $0x100, s2;
	s0 =	sadd.s32 $0x4800, s0;
	[dreg:$0x6] =	wrdreg s7  }
0x12: {  	vm0 =	vmmov $0xffff;
	v1 =	vshrl.u32 v2, $0x3;
	s5 =	sadd.s32 $0x200, s2;
	s6 =	sadd.s32 $0x300, s2;
	[dreg:$0x7] =	wrdreg s0  }
0x13: {  	v0 =	vand.u32 $0x7, v2;
	v2 =	vor.u32 $0x8, v2;
	v1 =	vmul.u32 $0x8, v1;
	s7 =	smax.u32 s1, $0x1;
	s26 =	simm.s32 $0x80;
	s1 =	simm.s32 $0x4080  }
.LBB2_1:
0x14: {  	s22 =	rddreg [dreg:$0x3];
	s0 =	simm.s32 $0x5  }
0x15: {  	[tilespmem:s3], [sflag:$0x5] =	stream.linear.gather [hbm4b:s22+s3], $0x80, $0x38;
	[tilespmem:$0x10080] =	vst v63  }
0x16: {  	_ =	swait.ge [sflag:s0], $0x80  }
0x17: {  	[sflag:s0] =	ssyncset.done $0x0  }
0x18: {  	[sflag:s0] =	ssyncadd.s32 $0xFFFFFF80  }
0x19: {  	v3 =	vld [tilespmem:$0x0];
	_ =	sdelay $0x4  }
0x1a: {  	v4 =	vshll.u32 v3, $0x3  }
0x1b: {  	v3 =	vand.u32 $0x7, v3;
	v4 =	vand.u32 $0xFFFFFFC0, v4  }
0x1c: {  	v3 =	vor.u32 v3, v4  }
0x1d: {  	v4 =	vperm.xlane v3, v0;
	_ =	sdelay $0x1  }
0x1e: {  	v4 =	vadd.s32 v1, v4;
	_ =	sdelay $0x4  }
0x1f: {  	[tilespmem:s26], [sflag:$0x1] =	stream.indirect_vreg.gather [hbm4b:s2+s3], $0x80, v4, vm0, $0xb8;
	[tilespmem:$0x10080] =	vst v63  }
0x20: {  	v3 =	vperm.xlane v3, v2  }
0x21: {  	[tilespmem:s23], [sflag:$0x1] =	stream.indirect_vreg.gather [hbm4b:s4+s3], $0x80, v4, vm0, $0xb8;
	[tilespmem:$0x10080] =	vst v63  }
0x22: {  	v3 =	vadd.s32 v1, v3  }
0x23: {  	[tilespmem:s24], [sflag:$0x1] =	stream.indirect_vreg.gather [hbm4b:s5+s3], $0x80, v4, vm0, $0xb8;
	[tilespmem:$0x10080] =	vst v63  }
0x24: {  	_ = 	snop  }
0x25: {  	[tilespmem:s28], [sflag:$0x1] =	stream.indirect_vreg.gather [hbm4b:s6+s3], $0x80, v4, vm0, $0xb8;
	[tilespmem:$0x10080] =	vst v63  }
0x26: {  	_ = 	snop  }
0x27: {  	[tilespmem:s29], [sflag:$0x1] =	stream.indirect_vreg.gather [hbm4b:s2+s3], $0x80, v3, vm0, $0xb8;
	[tilespmem:$0x10080] =	vst v63  }
0x28: {  	_ = 	snop  }
0x29: {  	[tilespmem:s30], [sflag:$0x1] =	stream.indirect_vreg.gather [hbm4b:s4+s3], $0x80, v3, vm0, $0xb8;
	[tilespmem:$0x10080] =	vst v63  }
0x2a: {  	_ = 	snop  }
0x2b: {  	[tilespmem:s31], [sflag:$0x1] =	stream.indirect_vreg.gather [hbm4b:s5+s3], $0x80, v3, vm0, $0xb8;
	[tilespmem:$0x10080] =	vst v63  }
0x2c: {  	_ = 	snop  }
0x2d: {  	[tilespmem:s8], [sflag:$0x1] =	stream.indirect_vreg.gather [hbm4b:s6+s3], $0x80, v3, vm0, $0xb8;
	[tilespmem:$0x10080] =	vst v63  }
0x2e: {  	v3 =	vld [tilespmem:$0x10];
	_ =	sdelay $0x4  }
0x2f: {  	v57 =	vshll.u32 v3, $0x3  }
0x30: {  	v3 =	vand.u32 $0x7, v3;
	v4 =	vand.u32 $0xFFFFFFC0, v57  }
0x31: {  	v3 =	vor.u32 v3, v4  }
0x32: {  	v4 =	vperm.xlane v3, v0;
	_ =	sdelay $0x1  }
0x33: {  	v4 =	vadd.s32 v1, v4;
	_ =	sdelay $0x4  }
0x34: {  	[tilespmem:s1], [sflag:$0x1] =	stream.indirect_vreg.gather [hbm4b:s2+s3], $0x80, v4, vm0, $0xb8;
	[tilespmem:$0x10080] =	vst v63  }
0x35: {  	v3 =	vperm.xlane v3, v2  }
0x36: {  	[tilespmem:s10], [sflag:$0x1] =	stream.indirect_vreg.gather [hbm4b:s4+s3], $0x80, v4, vm0, $0xb8;
	[tilespmem:$0x10080] =	vst v63  }
0x37: {  	v3 =	vadd.s32 v1, v3  }
0x38: {  	[tilespmem:s11], [sflag:$0x1] =	stream.indirect_vreg.gather [hbm4b:s5+s3], $0x80, v4, vm0, $0xb8;
	[tilespmem:$0x10080] =	vst v63  }
0x39: {  	_ = 	snop  }
0x3a: {  	[tilespmem:s12], [sflag:$0x1] =	stream.indirect_vreg.gather [hbm4b:s6+s3], $0x80, v4, vm0, $0xb8;
	[tilespmem:$0x10080] =	vst v63  }
0x3b: {  	_ = 	snop  }
0x3c: {  	[tilespmem:s13], [sflag:$0x1] =	stream.indirect_vreg.gather [hbm4b:s2+s3], $0x80, v3, vm0, $0xb8;
	[tilespmem:$0x10080] =	vst v63  }
0x3d: {  	_ = 	snop  }
0x3e: {  	[tilespmem:s14], [sflag:$0x1] =	stream.indirect_vreg.gather [hbm4b:s4+s3], $0x80, v3, vm0, $0xb8;
	[tilespmem:$0x10080] =	vst v63  }
0x3f: {  	_ = 	snop  }
0x40: {  	[tilespmem:s15], [sflag:$0x1] =	stream.indirect_vreg.gather [hbm4b:s5+s3], $0x80, v3, vm0, $0xb8;
	[tilespmem:$0x10080] =	vst v63  }
0x41: {  	s0 =	simm.s32 $0x1  }
0x42: {  	[tilespmem:s16], [sflag:$0x1] =	stream.indirect_vreg.gather [hbm4b:s6+s3], $0x80, v3, vm0, $0xb8;
	[tilespmem:$0x10080] =	vst v63  }
0x43: {  	_ =	swait.ge [sflag:s0], $0x8000  }
0x44: {  	[sflag:s0] =	ssyncset.done $0x0  }
0x45: {  	[sflag:s0] =	ssyncadd.s32 $0xFFFF8000  }
0x46: {  	v3 =	vld [tilespmem:$0x20];
	_ =	sdelay $0x4  }
0x47: {  	v58 =	vshll.u32 v3, $0x3  }
0x48: {  	v3 =	vand.u32 $0x7, v3;
	v4 =	vand.u32 $0xFFFFFFC0, v58  }
0x49: {  	v3 =	vor.u32 v3, v4  }
0x4a: {  	v4 =	vperm.xlane v3, v0;
	_ =	sdelay $0x1  }
0x4b: {  	v4 =	vadd.s32 v1, v4;
	_ =	sdelay $0x4  }
0x4c: {  	[tilespmem:s25], [sflag:$0x2] =	stream.indirect_vreg.gather [hbm4b:s2+s3], $0x80, v4, vm0, $0xb8;
	[tilespmem:$0x10080] =	vst v63  }
0x4d: {  	v3 =	vperm.xlane v3, v2  }
0x4e: {  	[tilespmem:s17], [sflag:$0x2] =	stream.indirect_vreg.gather [hbm4b:s4+s3], $0x80, v4, vm0, $0xb8;
	[tilespmem:$0x10080] =	vst v63  }
0x4f: {  	v3 =	vadd.s32 v1, v3  }
0x50: {  	[tilespmem:s18], [sflag:$0x2] =	stream.indirect_vreg.gather [hbm4b:s5+s3], $0x80, v4, vm0, $0xb8;
	[tilespmem:$0x10080] =	vst v63  }
0x51: {  	s9 =	simm.s32 $0x9880  }
0x52: {  	[tilespmem:s9], [sflag:$0x2] =	stream.indirect_vreg.gather [hbm4b:s6+s3], $0x80, v4, vm0, $0xb8;
	[tilespmem:$0x10080] =	vst v63  }
0x53: {  	s22 =	simm.s32 $0xA080  }
0x54: {  	[tilespmem:s22], [sflag:$0x2] =	stream.indirect_vreg.gather [hbm4b:s2+s3], $0x80, v3, vm0, $0xb8;
	[tilespmem:$0x10080] =	vst v63  }
0x55: {  	s9 =	simm.s32 $0xA880  }
0x56: {  	[tilespmem:s9], [sflag:$0x2] =	stream.indirect_vreg.gather [hbm4b:s4+s3], $0x80, v3, vm0, $0xb8;
	[tilespmem:$0x10080] =	vst v63  }
0x57: {  	s9 =	simm.s32 $0xB080  }
0x58: {  	[tilespmem:s9], [sflag:$0x2] =	stream.indirect_vreg.gather [hbm4b:s5+s3], $0x80, v3, vm0, $0xb8;
	[tilespmem:$0x10080] =	vst v63  }
0x59: {  	s9 =	simm.s32 $0xB880  }
0x5a: {  	[tilespmem:s9], [sflag:$0x2] =	stream.indirect_vreg.gather [hbm4b:s6+s3], $0x80, v3, vm0, $0xb8;
	[tilespmem:$0x10080] =	vst v63  }
0x5b: {  	v3 =	vld [tilespmem:$0x30];
	_ =	sdelay $0x4  }
0x5c: {  	v59 =	vshll.u32 v3, $0x3  }
0x5d: {  	v3 =	vand.u32 $0x7, v3;
	v4 =	vand.u32 $0xFFFFFFC0, v59  }
0x5e: {  	v3 =	vor.u32 v3, v4  }
0x5f: {  	v4 =	vperm.xlane v3, v0;
	_ =	sdelay $0x1  }
0x60: {  	v4 =	vadd.s32 v1, v4;
	_ =	sdelay $0x3  }
0x61: {  	s9 =	simm.s32 $0xC080  }
0x62: {  	[tilespmem:s9], [sflag:$0x2] =	stream.indirect_vreg.gather [hbm4b:s2+s3], $0x80, v4, vm0, $0xb8;
	[tilespmem:$0x10080] =	vst v63  }
0x63: {  	v3 =	vperm.xlane v3, v2;
	s9 =	simm.s32 $0xC880  }
0x64: {  	[tilespmem:s9], [sflag:$0x2] =	stream.indirect_vreg.gather [hbm4b:s4+s3], $0x80, v4, vm0, $0xb8;
	[tilespmem:$0x10080] =	vst v63  }
0x65: {  	v3 =	vadd.s32 v1, v3;
	s9 =	simm.s32 $0xD080  }
0x66: {  	[tilespmem:s9], [sflag:$0x2] =	stream.indirect_vreg.gather [hbm4b:s5+s3], $0x80, v4, vm0, $0xb8;
	[tilespmem:$0x10080] =	vst v63  }
0x67: {  	s9 =	simm.s32 $0xD880  }
0x68: {  	[tilespmem:s9], [sflag:$0x2] =	stream.indirect_vreg.gather [hbm4b:s6+s3], $0x80, v4, vm0, $0xb8;
	[tilespmem:$0x10080] =	vst v63  }
0x69: {  	s9 =	simm.s32 $0xE080  }
0x6a: {  	[tilespmem:s9], [sflag:$0x2] =	stream.indirect_vreg.gather [hbm4b:s2+s3], $0x80, v3, vm0, $0xb8;
	[tilespmem:$0x10080] =	vst v63  }
0x6b: {  	s9 =	simm.s32 $0xE880  }
0x6c: {  	[tilespmem:s9], [sflag:$0x2] =	stream.indirect_vreg.gather [hbm4b:s4+s3], $0x80, v3, vm0, $0xb8;
	[tilespmem:$0x10080] =	vst v63  }
0x6d: {  	s9 =	simm.s32 $0xF080  }
0x6e: {  	[tilespmem:s9], [sflag:$0x2] =	stream.indirect_vreg.gather [hbm4b:s5+s3], $0x80, v3, vm0, $0xb8;
	[tilespmem:$0x10080] =	vst v63  }
0x6f: {  	s9 =	simm.s32 $0xF880  }
0x70: {  	[tilespmem:s9], [sflag:$0x2] =	stream.indirect_vreg.gather [hbm4b:s6+s3], $0x80, v3, vm0, $0xb8;
	[tilespmem:$0x10080] =	vst v63  }
0x71: {  	s22 =	rddreg [dreg:$0x4]  }
0x72: {  	[hbm4b:s22+s3] =	stream.linear.scatter [tilespmem:s26], [sflag:$0x3], $0x8000, $0x38;
	[tilespmem:$0x10080] =	vst v63  }
0x73: {  	_ =	swait.ge [sflag:s19], $0x8000  }
0x74: {  	[sflag:s19] =	ssyncset.done $0x0  }
0x75: {  	[sflag:s19] =	ssyncadd.s32 $0xFFFF8000  }
0x76: {  	_ =	swait.ge [sflag:s20], $0x8000  }
0x77: {  	[sflag:s20] =	ssyncset.done $0x0  }
0x78: {  	[sflag:s20] =	ssyncadd.s32 $0xFFFF8000  }
0x79: {  	v3 =	vld [tilespmem:$0x40];
	_ =	sdelay $0x4  }
0x7a: {  	v60 =	vshll.u32 v3, $0x3  }
0x7b: {  	v3 =	vand.u32 $0x7, v3;
	v4 =	vand.u32 $0xFFFFFFC0, v60  }
0x7c: {  	v3 =	vor.u32 v3, v4  }
0x7d: {  	v4 =	vperm.xlane v3, v0;
	_ =	sdelay $0x1  }
0x7e: {  	v4 =	vadd.s32 v1, v4;
	_ =	sdelay $0x4  }
0x7f: {  	[tilespmem:s26], [sflag:$0x1] =	stream.indirect_vreg.gather [hbm4b:s2+s3], $0x80, v4, vm0, $0xb8;
	[tilespmem:$0x10080] =	vst v63  }
0x80: {  	v3 =	vperm.xlane v3, v2  }
0x81: {  	[tilespmem:s23], [sflag:$0x1] =	stream.indirect_vreg.gather [hbm4b:s4+s3], $0x80, v4, vm0, $0xb8;
	[tilespmem:$0x10080] =	vst v63  }
0x82: {  	v3 =	vadd.s32 v1, v3  }
0x83: {  	[tilespmem:s24], [sflag:$0x1] =	stream.indirect_vreg.gather [hbm4b:s5+s3], $0x80, v4, vm0, $0xb8;
	[tilespmem:$0x10080] =	vst v63  }
0x84: {  	_ = 	snop  }
0x85: {  	[tilespmem:s28], [sflag:$0x1] =	stream.indirect_vreg.gather [hbm4b:s6+s3], $0x80, v4, vm0, $0xb8;
	[tilespmem:$0x10080] =	vst v63  }
0x86: {  	_ = 	snop  }
0x87: {  	[tilespmem:s29], [sflag:$0x1] =	stream.indirect_vreg.gather [hbm4b:s2+s3], $0x80, v3, vm0, $0xb8;
	[tilespmem:$0x10080] =	vst v63  }
0x88: {  	_ = 	snop  }
0x89: {  	[tilespmem:s30], [sflag:$0x1] =	stream.indirect_vreg.gather [hbm4b:s4+s3], $0x80, v3, vm0, $0xb8;
	[tilespmem:$0x10080] =	vst v63  }
0x8a: {  	_ = 	snop  }
0x8b: {  	[tilespmem:s31], [sflag:$0x1] =	stream.indirect_vreg.gather [hbm4b:s5+s3], $0x80, v3, vm0, $0xb8;
	[tilespmem:$0x10080] =	vst v63  }
0x8c: {  	_ = 	snop  }
0x8d: {  	[tilespmem:s8], [sflag:$0x1] =	stream.indirect_vreg.gather [hbm4b:s6+s3], $0x80, v3, vm0, $0xb8;
	[tilespmem:$0x10080] =	vst v63  }
0x8e: {  	v3 =	vld [tilespmem:$0x50];
	_ =	sdelay $0x4  }
0x8f: {  	v61 =	vshll.u32 v3, $0x3  }
0x90: {  	v3 =	vand.u32 $0x7, v3;
	v4 =	vand.u32 $0xFFFFFFC0, v61  }
0x91: {  	v3 =	vor.u32 v3, v4  }
0x92: {  	v4 =	vperm.xlane v3, v0;
	_ =	sdelay $0x1  }
0x93: {  	v4 =	vadd.s32 v1, v4;
	_ =	sdelay $0x4  }
0x94: {  	[tilespmem:s1], [sflag:$0x1] =	stream.indirect_vreg.gather [hbm4b:s2+s3], $0x80, v4, vm0, $0xb8;
	[tilespmem:$0x10080] =	vst v63  }
0x95: {  	v3 =	vperm.xlane v3, v2  }
0x96: {  	[tilespmem:s10], [sflag:$0x1] =	stream.indirect_vreg.gather [hbm4b:s4+s3], $0x80, v4, vm0, $0xb8;
	[tilespmem:$0x10080] =	vst v63  }
0x97: {  	v3 =	vadd.s32 v1, v3  }
0x98: {  	[tilespmem:s11], [sflag:$0x1] =	stream.indirect_vreg.gather [hbm4b:s5+s3], $0x80, v4, vm0, $0xb8;
	[tilespmem:$0x10080] =	vst v63  }
0x99: {  	_ = 	snop  }
0x9a: {  	[tilespmem:s12], [sflag:$0x1] =	stream.indirect_vreg.gather [hbm4b:s6+s3], $0x80, v4, vm0, $0xb8;
	[tilespmem:$0x10080] =	vst v63  }
0x9b: {  	_ = 	snop  }
0x9c: {  	[tilespmem:s13], [sflag:$0x1] =	stream.indirect_vreg.gather [hbm4b:s2+s3], $0x80, v3, vm0, $0xb8;
	[tilespmem:$0x10080] =	vst v63  }
0x9d: {  	_ = 	snop  }
0x9e: {  	[tilespmem:s14], [sflag:$0x1] =	stream.indirect_vreg.gather [hbm4b:s4+s3], $0x80, v3, vm0, $0xb8;
	[tilespmem:$0x10080] =	vst v63  }
0x9f: {  	_ = 	snop  }
0xa0: {  	[tilespmem:s15], [sflag:$0x1] =	stream.indirect_vreg.gather [hbm4b:s5+s3], $0x80, v3, vm0, $0xb8;
	[tilespmem:$0x10080] =	vst v63  }
0xa1: {  	_ = 	snop  }
0xa2: {  	[tilespmem:s16], [sflag:$0x1] =	stream.indirect_vreg.gather [hbm4b:s6+s3], $0x80, v3, vm0, $0xb8;
	[tilespmem:$0x10080] =	vst v63  }
0xa3: {  	s22 =	rddreg [dreg:$0x5]  }
0xa4: {  	[hbm4b:s22+s3] =	stream.linear.scatter [tilespmem:s25], [sflag:$0x4], $0x8000, $0x38;
	[tilespmem:$0x10080] =	vst v63  }
0xa5: {  	_ =	swait.ge [sflag:s0], $0x8000  }
0xa6: {  	[sflag:s0] =	ssyncset.done $0x0  }
0xa7: {  	[sflag:s0] =	ssyncadd.s32 $0xFFFF8000  }
0xa8: {  	_ =	swait.ge [sflag:s21], $0x8000  }
0xa9: {  	[sflag:s21] =	ssyncset.done $0x0  }
0xaa: {  	[sflag:s21] =	ssyncadd.s32 $0xFFFF8000  }
0xab: {  	v3 =	vld [tilespmem:$0x60];
	_ =	sdelay $0x4  }
0xac: {  	v62 =	vshll.u32 v3, $0x3  }
0xad: {  	v3 =	vand.u32 $0x7, v3;
	v4 =	vand.u32 $0xFFFFFFC0, v62  }
0xae: {  	v3 =	vor.u32 v3, v4  }
0xaf: {  	v4 =	vperm.xlane v3, v0;
	_ =	sdelay $0x1  }
0xb0: {  	v4 =	vadd.s32 v1, v4;
	_ =	sdelay $0x4  }
0xb1: {  	[tilespmem:s25], [sflag:$0x2] =	stream.indirect_vreg.gather [hbm4b:s2+s3], $0x80, v4, vm0, $0xb8;
	[tilespmem:$0x10080] =	vst v63  }
0xb2: {  	v3 =	vperm.xlane v3, v2  }
0xb3: {  	[tilespmem:s17], [sflag:$0x2] =	stream.indirect_vreg.gather [hbm4b:s4+s3], $0x80, v4, vm0, $0xb8;
	[tilespmem:$0x10080] =	vst v63  }
0xb4: {  	v3 =	vadd.s32 v1, v3  }
0xb5: {  	[tilespmem:s18], [sflag:$0x2] =	stream.indirect_vreg.gather [hbm4b:s5+s3], $0x80, v4, vm0, $0xb8;
	[tilespmem:$0x10080] =	vst v63  }
0xb6: {  	s22 =	simm.s32 $0x9880  }
0xb7: {  	[tilespmem:s22], [sflag:$0x2] =	stream.indirect_vreg.gather [hbm4b:s6+s3], $0x80, v4, vm0, $0xb8;
	[tilespmem:$0x10080] =	vst v63  }
0xb8: {  	s22 =	simm.s32 $0xA080  }
0xb9: {  	[tilespmem:s22], [sflag:$0x2] =	stream.indirect_vreg.gather [hbm4b:s2+s3], $0x80, v3, vm0, $0xb8;
	[tilespmem:$0x10080] =	vst v63  }
0xba: {  	s22 =	simm.s32 $0xA880  }
0xbb: {  	[tilespmem:s22], [sflag:$0x2] =	stream.indirect_vreg.gather [hbm4b:s4+s3], $0x80, v3, vm0, $0xb8;
	[tilespmem:$0x10080] =	vst v63  }
0xbc: {  	s22 =	simm.s32 $0xB080  }
0xbd: {  	[tilespmem:s22], [sflag:$0x2] =	stream.indirect_vreg.gather [hbm4b:s5+s3], $0x80, v3, vm0, $0xb8;
	[tilespmem:$0x10080] =	vst v63  }
0xbe: {  	s22 =	simm.s32 $0xB880  }
0xbf: {  	[tilespmem:s22], [sflag:$0x2] =	stream.indirect_vreg.gather [hbm4b:s6+s3], $0x80, v3, vm0, $0xb8;
	[tilespmem:$0x10080] =	vst v63  }
0xc0: {  	v3 =	vld [tilespmem:$0x70];
	_ =	sdelay $0x4  }
0xc1: {  	v63 =	vshll.u32 v3, $0x3  }
0xc2: {  	v3 =	vand.u32 $0x7, v3;
	v4 =	vand.u32 $0xFFFFFFC0, v63  }
0xc3: {  	v3 =	vor.u32 v3, v4  }
0xc4: {  	v4 =	vperm.xlane v3, v0;
	_ =	sdelay $0x1  }
0xc5: {  	v4 =	vadd.s32 v1, v4;
	_ =	sdelay $0x3  }
0xc6: {  	s22 =	simm.s32 $0xC080  }
0xc7: {  	[tilespmem:s22], [sflag:$0x2] =	stream.indirect_vreg.gather [hbm4b:s2+s3], $0x80, v4, vm0, $0xb8;
	[tilespmem:$0x10080] =	vst v63  }
0xc8: {  	v3 =	vperm.xlane v3, v2;
	s22 =	simm.s32 $0xC880  }
0xc9: {  	[tilespmem:s22], [sflag:$0x2] =	stream.indirect_vreg.gather [hbm4b:s4+s3], $0x80, v4, vm0, $0xb8;
	[tilespmem:$0x10080] =	vst v63  }
0xca: {  	v3 =	vadd.s32 v1, v3;
	s22 =	simm.s32 $0xD080  }
0xcb: {  	[tilespmem:s22], [sflag:$0x2] =	stream.indirect_vreg.gather [hbm4b:s5+s3], $0x80, v4, vm0, $0xb8;
	[tilespmem:$0x10080] =	vst v63  }
0xcc: {  	s22 =	simm.s32 $0xD880  }
0xcd: {  	[tilespmem:s22], [sflag:$0x2] =	stream.indirect_vreg.gather [hbm4b:s6+s3], $0x80, v4, vm0, $0xb8;
	[tilespmem:$0x10080] =	vst v63  }
0xce: {  	s22 =	simm.s32 $0xE080  }
0xcf: {  	[tilespmem:s22], [sflag:$0x2] =	stream.indirect_vreg.gather [hbm4b:s2+s3], $0x80, v3, vm0, $0xb8;
	[tilespmem:$0x10080] =	vst v63  }
0xd0: {  	s22 =	simm.s32 $0xE880  }
0xd1: {  	[tilespmem:s22], [sflag:$0x2] =	stream.indirect_vreg.gather [hbm4b:s4+s3], $0x80, v3, vm0, $0xb8;
	[tilespmem:$0x10080] =	vst v63  }
0xd2: {  	s22 =	simm.s32 $0xF080  }
0xd3: {  	[tilespmem:s22], [sflag:$0x2] =	stream.indirect_vreg.gather [hbm4b:s5+s3], $0x80, v3, vm0, $0xb8;
	[tilespmem:$0x10080] =	vst v63  }
0xd4: {  	s9 =	simm.s32 $0xF880  }
0xd5: {  	[tilespmem:s9], [sflag:$0x2] =	stream.indirect_vreg.gather [hbm4b:s6+s3], $0x80, v3, vm0, $0xb8;
	[tilespmem:$0x10080] =	vst v63  }
0xd6: {  	s0 =	rddreg [dreg:$0x6]  }
0xd7: {  	[hbm4b:s0+s3] =	stream.linear.scatter [tilespmem:s26], [sflag:$0x3], $0x8000, $0x38;
	[tilespmem:$0x10080] =	vst v63  }
0xd8: {  	_ =	swait.ge [sflag:s19], $0x8000  }
0xd9: {  	[sflag:s19] =	ssyncset.done $0x0  }
0xda: {  	s9 =	rddreg [dreg:$0x7];
	[sflag:s19] =	ssyncadd.s32 $0xFFFF8000  }
0xdb: {  	[hbm4b:s9+s3] =	stream.linear.scatter [tilespmem:s25], [sflag:$0x4], $0x8000, $0x38;
	[tilespmem:$0x10080] =	vst v63  }
0xdc: {  	p0 =	sne.s32 s7, $0x1;
	_ =	swait.ge [sflag:s20], $0x8000  }
.Ltmp0:
0xdd: {  	[sflag:s20] =	ssyncset.done $0x0;
	(pc) =	sbr.rel @p0 .LBB2_1-.Ltmp0, $4  }
0xde: {  	[sflag:s20] =	ssyncadd.s32 $0xFFFF8000  }
0xdf: {  	_ =	swait.ge [sflag:s21], $0x8000  }
0xe0: {  	[sflag:s21] =	ssyncset.done $0x0  }
0xe1: {  	s7 =	sadd.s32 $0xFFFFFFFF, s7;
	[sflag:s21] =	ssyncadd.s32 $0xFFFF8000  }
0xe2: {  	_ =	sfence.sel $0x180000  }
0xe3: {  	[bflag:$0x0] =	sbarrier.arrive $0xFFFF  }
0xe4: {  	_ =	strace $0x9000004A  }
0xe5: {  	s0 =	stileid.u32;
	[bflag:$0x2] =	sbarrier.arrive $0xFFFF  }
0xe6: {  	p0 =	sne.s32 s0, $0x0;
	s0 =	rddreg [dreg:$0x2]  }
0xe7: {  	s0 =	sadd.s32 @!p0 $0x100000, s0  }
0xe8: {  	[sflag:s0] =	ssyncadd.tile.s32 @!p0 $0x1;
	_ =	shalt  }
.Lfunc_end2:
_tile_overlayer_lowered:
.L_overlay_start_2:
0xe9: {  	(tag) =	ssettag $0x2  }
0xea: {  	s0 =	rddreg [dreg:$0x0];
	s2 =	stileid.u32  }
0xeb: {  	s1 =	rddreg [dreg:$0x1];
	p0 =	sne.s32 s2, $0x0  }
0xec: {  	s3 =	rddreg [dreg:$0x2];
	[bflag:$0x3] =	sbarrier.arrive $0xFFFF;
	s2 =	simm.s32 @!p0 $0x1C05  }
0xed: {  	[timem:s3], [sflag:s2] =	dma.local @!p0 [hbm:s0], s1  }
0xee: {  	s0 =	simm.s32 @!p0 $0x5  }
0xef: {  	_ =	swait.ge @!p0 [sflag:s0], s1  }
0xf0: {  	s1 =	ssub.s32 @!p0 $0x0, s1;
	[sflag:s0] =	ssyncset.done @!p0 $0x0  }
0xf1: {  	[sflag:s0] =	ssyncadd.s32 @!p0 s1  }
0xf2: {  	[bflag:$0x3] =	sbarrier.arrive $0xFFFF  }
0xf3: {  	_ =	shalt  }

</sc_bundles>
